<compile_context>
chip_gen: v7x
topology: tpu7x:2x2x1
jax: 0.10.2.dev20260603
libtpu: 0.0.44.dev20260713+nightly
codegen_flags: <defaults>
</compile_context>

<pallas_src>
import functools

import jax
import jax.numpy as jnp
import numpy as np
from jax import lax
from jax.experimental import pallas as pl
from jax.experimental.pallas import tpu as pltpu
from jax.experimental.pallas import tpu_sc as plsc

_B, _S, _H = 4, 8192, 1024
_SB = 1024
_NB2 = _S // (2 * _SB)
_K = 5
_NJ = _B * 2
_NEG = np.float32(-3.0e38)
_IMAX = np.int32(2**31 - 1)


def _proj_body(x1_ref, x2_ref, w_ref, mask_ref, out_ref, lse_ref, m_scr, s_scr):
    i = pl.program_id(1)
    w = w_ref[...]
    la = lax.dot_general(w, x1_ref[0], (((1,), (1,)), ((), ())),
                         preferred_element_type=jnp.float32)
    lb = lax.dot_general(w, x2_ref[0], (((1,), (1,)), ((), ())),
                         preferred_element_type=jnp.float32)
    logits = jnp.concatenate([la, lb], axis=1)
    mask = mask_ref[0]
    logits = logits + (1.0 - mask) * np.float32(-1e30)
    out_ref[0] = logits

    bm = jnp.max(logits, axis=1, keepdims=True)
    bs = jnp.sum(jnp.exp(logits - bm), axis=1, keepdims=True)
    bm = jnp.broadcast_to(bm, (2, 128))
    bs = jnp.broadcast_to(bs, (2, 128))

    @pl.when(i == 0)
    def _():
        m_scr[0:2, :] = bm
        s_scr[0:2, :] = bs

    @pl.when(i > 0)
    def _():
        m_old = m_scr[0:2, :]
        s_old = s_scr[0:2, :]
        m_new = jnp.maximum(m_old, bm)
        s_new = s_old * jnp.exp(m_old - m_new) + bs * jnp.exp(bm - m_new)
        m_scr[0:2, :] = m_new
        s_scr[0:2, :] = s_new

    @pl.when(i == _NB2 - 1)
    def _():
        lse_ref[0] = m_scr[0:2, :] + jnp.log(s_scr[0:2, :])


def _project(seq_output, w2, mask3):
    return pl.pallas_call(
        _proj_body,
        grid=(_B, _NB2),
        in_specs=[
            pl.BlockSpec((1, _SB, _H), lambda b, i: (b, 2 * i, 0)),
            pl.BlockSpec((1, _SB, _H), lambda b, i: (b, 2 * i + 1, 0)),
            pl.BlockSpec((2, _H), lambda b, i: (0, 0)),
            pl.BlockSpec((1, 1, 2 * _SB), lambda b, i: (b, 0, i)),
        ],
        out_specs=[
            pl.BlockSpec((1, 2, 2 * _SB), lambda b, i: (b, 0, i)),
            pl.BlockSpec((1, 2, 128), lambda b, i: (b, 0, 0)),
        ],
        out_shape=[
            jax.ShapeDtypeStruct((_B, 2, _S), jnp.float32),
            jax.ShapeDtypeStruct((_B, 2, 128), jnp.float32),
        ],
        scratch_shapes=[
            pltpu.VMEM((8, 128), jnp.float32),
            pltpu.VMEM((8, 128), jnp.float32),
        ],
        compiler_params=pltpu.CompilerParams(
            dimension_semantics=("parallel", "arbitrary")),
    )(seq_output, seq_output, w2, mask3)


_QS = _S // 4


def _topk_sc_body(logits_hbm, outv_hbm, outi_hbm, row_v, vout_v, iout_v,
                  m4v, m4i, sharedv, sharedi):
    cid = lax.axis_index("c")
    sid = lax.axis_index("s")
    row = cid * 4 + sid // 4
    part = sid % 4
    jid = row * 4 + part

    pltpu.sync_copy(logits_hbm.at[jid], row_v)
    lane = lax.iota(jnp.int32, 16)
    base0 = part * _QS
    U = 8

    def body(j, carry):
        ts = list(carry[0])
        js = list(carry[1])
        for u in range(U):
            off = (j * U + u) * 16
            v = row_v[pl.ds(off, 16)]
            gi = base0 + off + lane
            for r in range(_K):
                upd = v > ts[r]
                tv, ti = ts[r], js[r]
                ts[r] = jnp.where(upd, v, tv)
                js[r] = jnp.where(upd, gi, ti)
                v = jnp.where(upd, tv, v)
                gi = jnp.where(upd, ti, gi)
        return tuple(ts), tuple(js)

    init = (tuple(jnp.full((16,), _NEG, jnp.float32) for _ in range(_K)),
            tuple(jnp.zeros((16,), jnp.int32) for _ in range(_K)))
    ts, js = lax.fori_loop(0, _QS // 16 // U, body, init)
    ts, js = list(ts), list(js)

    topv = jnp.full((16,), _NEG, jnp.float32)
    topi = jnp.zeros((16,), jnp.int32)
    for r in range(_K):
        m = ts[0]
        for q in range(1, _K):
            m = jnp.maximum(m, ts[q])
        smax = jnp.max(m)
        cand = jnp.full((16,), _IMAX, jnp.int32)
        for q in range(_K):
            cand = jnp.minimum(cand, jnp.where(ts[q] == smax, js[q], _IMAX))
        widx = jnp.min(cand)
        for q in range(_K):
            ts[q] = jnp.where(js[q] == widx, _NEG, ts[q])
        topv = jnp.where(lane == r, smax, topv)
        topi = jnp.where(lane == r, widx, topi)
    vout_v[...] = topv
    iout_v[...] = topi

    pltpu.sync_copy(vout_v, sharedv.at[pl.ds(sid * 16, 16)])
    pltpu.sync_copy(iout_v, sharedi.at[pl.ds(sid * 16, 16)])
    plsc.subcore_barrier()

    @pl.when(part == 0)
    def _():
        pltpu.sync_copy(sharedv.at[pl.ds(sid * 16, 64)], m4v)
        pltpu.sync_copy(sharedi.at[pl.ds(sid * 16, 64)], m4i)
        vs = [m4v[pl.ds(k * 16, 16)] for k in range(4)]
        is_ = [m4i[pl.ds(k * 16, 16)] for k in range(4)]
        gtv = jnp.full((16,), _NEG, jnp.float32)
        gti = jnp.zeros((16,), jnp.int32)
        for r in range(_K):
            m = vs[0]
            for k in range(1, 4):
                m = jnp.maximum(m, vs[k])
            smax = jnp.max(m)
            cand = jnp.full((16,), _IMAX, jnp.int32)
            for k in range(4):
                cand = jnp.minimum(cand, jnp.where(vs[k] == smax, is_[k], _IMAX))
            widx = jnp.min(cand)
            for k in range(4):
                vs[k] = jnp.where(is_[k] == widx, _NEG, vs[k])
            gtv = jnp.where(lane == r, smax, gtv)
            gti = jnp.where(lane == r, widx, gti)
        vout_v[...] = gtv
        iout_v[...] = gti
        pltpu.sync_copy(vout_v, outv_hbm.at[row])
        pltpu.sync_copy(iout_v, outi_hbm.at[row])


@functools.cache
def _topk_sc():
    return functools.partial(
        pl.kernel,
        mesh=plsc.VectorSubcoreMesh(core_axis_name="c", subcore_axis_name="s"),
        out_type=[
            jax.ShapeDtypeStruct((_NJ, 16), jnp.float32),
            jax.ShapeDtypeStruct((_NJ, 16), jnp.int32),
        ],
        scratch_types=[
            pltpu.VMEM((_QS,), jnp.float32),
            pltpu.VMEM((16,), jnp.float32),
            pltpu.VMEM((16,), jnp.int32),
            pltpu.VMEM((64,), jnp.float32),
            pltpu.VMEM((64,), jnp.int32),
            pltpu.VMEM_SHARED((256,), jnp.float32),
            pltpu.VMEM_SHARED((256,), jnp.int32),
        ],
        compiler_params=pltpu.CompilerParams(needs_layout_passes=False),
    )(_topk_sc_body)


def kernel(seq_output, cls_output, passage_mask, start_position,
           start_w, start_b, end_w, end_b):
    w2 = jnp.concatenate([start_w, end_w], axis=1).T
    mask3 = passage_mask[:, None, :]
    logits, lse = _project(seq_output, w2, mask3)
    lse = lse[:, :, 0]
    topv, topi = _topk_sc()(logits.reshape(_NJ * 4, _QS))
    topv = topv[:, :_K].reshape(_B, 2, _K)
    topi = topi[:, :_K].reshape(_B, 2, _K)
    logp = topv - lse[:, :, None]
    res = jnp.stack([logp, topi.astype(jnp.float32)], axis=-1)
    return res[:, 0], res[:, 1]

# --- scband reference (transcript-rebuilt; emitter-appended) ---
"""Pipeline reference for scband-qalayer-simple-78855599554999 (READ-ONLY COPY).

The authoritative reference and input builder live on the scoring server;
editing this copy changes nothing except your own understanding.
"""

import jax, jax.numpy as jnp
import numpy as np


def masked_softmax(logits, mask):
    # mask: 1 for valid positions, 0 for masked; returns log-probs
    adder = (1.0 - mask) * (-1e30)
    return jax.nn.log_softmax(logits + adder, axis=-1)


def setup_inputs(seed: int = 0) -> dict:
    key = jax.random.key(seed)
    k1, k2, k3, k4 = jax.random.split(key, 4)
    B, S, H = 4, 8192, 1024
    seq_output = jax.random.normal(k1, (B, S, H), dtype=jnp.float32)
    cls_output = jax.random.normal(k2, (B, H), dtype=jnp.float32)
    passage_mask = jnp.ones((B, S), dtype=jnp.float32)
    start_position = jax.random.randint(k3, (B,), 0, S).astype(jnp.int64)
    # learned params: Dense(1) projections (glorot-style scale)
    start_w = jax.random.normal(k4, (H, 1), dtype=jnp.float32) * (1.0 / np.sqrt(H))
    start_b = jnp.zeros((1,), dtype=jnp.float32)
    end_w = jax.random.normal(jax.random.fold_in(key, 5), (H, 1), dtype=jnp.float32) * (1.0 / np.sqrt(H))
    end_b = jnp.zeros((1,), dtype=jnp.float32)
    return {
        'seq_output': seq_output,
        'cls_output': cls_output,
        'passage_mask': passage_mask,
        'start_position': start_position,
        'start_w': start_w,
        'start_b': start_b,
        'end_w': end_w,
        'end_b': end_b,
    }


def reference(seq_output, cls_output, passage_mask, start_position, start_w, start_b, end_w, end_b):
    start_n_top = 5
    # start branch
    start_feature = jnp.einsum('bsh,ho->bso', seq_output, start_w) + start_b
    start_feature = jnp.squeeze(start_feature, axis=-1)
    start_log_probs = masked_softmax(start_feature, passage_mask)
    # end branch
    end_feature = jnp.einsum('bsh,ho->bso', seq_output, end_w) + end_b
    end_feature = jnp.squeeze(end_feature, axis=-1)
    end_log_probs = masked_softmax(end_feature, passage_mask)
    # inference path: top-k (original uses start_n_top for both, faithfully kept)
    start_top_log_prob, start_top_index = jax.lax.top_k(start_log_probs, start_n_top)
    end_top_log_prob, end_top_index = jax.lax.top_k(end_log_probs, start_n_top)
    start_top_res = jnp.concatenate(
        [start_top_log_prob[..., None], start_top_index.astype(jnp.float32)[..., None]], axis=-1)
    end_top_res = jnp.concatenate(
        [end_top_log_prob[..., None], end_top_index.astype(jnp.float32)[..., None]], axis=-1)
    return (start_top_res, end_top_res)

if __name__ == "__main__":
    import jax
    _d = setup_inputs()
    print(jax.jit(kernel)(*tuple(_d.values())))

</pallas_src>

<mosaic_0001>
#map = affine_map<(d0, d1) -> (0, 0)>
module attributes {stable_mosaic.version = 14 : i64} {
  func.func @_topk_sc_body(%arg0: i32, %arg1: i32, %arg2: memref<32x2048xf32, #tpu.memory_space<hbm>>, %arg3: memref<8x16xf32, #tpu.memory_space<hbm>>, %arg4: memref<8x16xi32, #tpu.memory_space<hbm>>, %arg5: memref<2048xf32, #tpu.memory_space<vmem>>, %arg6: memref<16xf32, #tpu.memory_space<vmem>>, %arg7: memref<16xi32, #tpu.memory_space<vmem>>, %arg8: memref<64xf32, #tpu.memory_space<vmem>>, %arg9: memref<64xi32, #tpu.memory_space<vmem>>, %arg10: memref<256xf32, #tpu.memory_space<vmem_shared>>, %arg11: memref<256xi32, #tpu.memory_space<vmem_shared>>) attributes {dimension_semantics = [#tpu.dimension_semantics<core_parallel>, #tpu.dimension_semantics<subcore_parallel>], iteration_bounds = array<i64: 2, 16>, scalar_prefetch = 0 : i64, scratch_operands = 7 : i64, tpu.core_type = #tpu.core_type<sc_vector_subcore>, window_params = [{transform_indices = #map}, {transform_indices = #map}, {transform_indices = #map}]} {
    %mul3A = arith.constant 4 : i32
    %mul3A_0 = arith.muli %arg0, %mul3A : i32
    %jit3A = arith.constant 4 : i32
    %div3A = arith.divsi %arg1, %jit3A : i32
    %sign3A = arith.constant 0 : i32
    %sign3A_1 = arith.cmpi sgt, %arg1, %sign3A : i32
    %sign3A_2 = arith.extui %sign3A_1 : i1 to i32
    %sign3A_3 = arith.constant 0 : i32
    %sign3A_4 = arith.cmpi slt, %arg1, %sign3A_3 : i32
    %sign3A_5 = arith.extui %sign3A_4 : i1 to i32
    %sign3A_6 = arith.subi %sign3A_2, %sign3A_5 : i32
    %sign3A_7 = arith.constant 0 : i32
    %sign3A_8 = arith.cmpi sgt, %jit3A, %sign3A_7 : i32
    %sign3A_9 = arith.extui %sign3A_8 : i1 to i32
    %sign3A_10 = arith.constant 0 : i32
    %sign3A_11 = arith.cmpi slt, %jit3A, %sign3A_10 : i32
    %sign3A_12 = arith.extui %sign3A_11 : i1 to i32
    %sign3A_13 = arith.subi %sign3A_9, %sign3A_12 : i32
    %ne3A = arith.cmpi ne, %sign3A_6, %sign3A_13 : i32
    %rem3A = arith.remsi %arg1, %jit3A : i32
    %ne3A_14 = arith.constant 0 : i32
    %ne3A_15 = arith.cmpi ne, %rem3A, %ne3A_14 : i32
    %and3A = arith.andi %ne3A, %ne3A_15 : i1
    %sub3A = arith.constant 1 : i32
    %sub3A_16 = arith.subi %div3A, %sub3A : i32
    %select_n3A = arith.select %and3A, %sub3A_16, %div3A : i32
    %add3A = arith.addi %mul3A_0, %select_n3A : i32
    %jit3A_17 = arith.constant 4 : i32
    %eq3A = arith.constant 0 : i32
    %eq3A_18 = arith.cmpi eq, %jit3A_17, %eq3A : i32
    %jit3A_19 = arith.constant 1 : i32
    %select_n3A_20 = arith.select %eq3A_18, %jit3A_19, %jit3A_17 : i32
    %rem3A_21 = arith.remsi %arg1, %select_n3A_20 : i32
    %ne3A_22 = arith.constant 0 : i32
    %ne3A_23 = arith.cmpi ne, %rem3A_21, %ne3A_22 : i32
    %lt3A = arith.constant 0 : i32
    %lt3A_24 = arith.cmpi slt, %rem3A_21, %lt3A : i32
    %lt3A_25 = arith.constant 0 : i32
    %lt3A_26 = arith.cmpi slt, %select_n3A_20, %lt3A_25 : i32
    %ne3A_27 = arith.xori %lt3A_24, %lt3A_26 : i1
    %and3A_28 = arith.andi %ne3A_27, %ne3A_23 : i1
    %add3A_29 = arith.addi %rem3A_21, %select_n3A_20 : i32
    %select_n3A_30 = arith.select %and3A_28, %add3A_29, %rem3A_21 : i32
    %mul3A_31 = arith.constant 4 : i32
    %mul3A_32 = arith.muli %add3A, %mul3A_31 : i32
    %add3A_33 = arith.addi %mul3A_32, %select_n3A_30 : i32
    "tpu.region"() ({
      %run_scoped3A = tpu.sem_alloc : memref<!tpu.dma_semaphore, #tpu.memory_space<semaphore_mem>>
      %dma_start3A = arith.constant 0 : i32
      %dma_start3A_485 = tpu.memref_slice %arg2[%add3A_33, %dma_start3A] : memref<32x2048xf32, #tpu.memory_space<hbm>> -> memref<1x2048xf32, #tpu.memory_space<hbm>>
      %dma_start3A_486 = tpu.memref_squeeze %dma_start3A_485 : memref<1x2048xf32, #tpu.memory_space<hbm>> -> memref<2048xf32, #tpu.memory_space<hbm>>
      %dma_start3A_487 = arith.constant 0 : i32
      %dma_start3A_488 = tpu.memref_slice %arg2[%add3A_33, %dma_start3A_487] : memref<32x2048xf32, #tpu.memory_space<hbm>> -> memref<1x2048xf32, #tpu.memory_space<hbm>>
      %dma_start3A_489 = tpu.memref_squeeze %dma_start3A_488 : memref<1x2048xf32, #tpu.memory_space<hbm>> -> memref<2048xf32, #tpu.memory_space<hbm>>
      tpu.enqueue_dma source(%dma_start3A_489 : memref<2048xf32, #tpu.memory_space<hbm>>) target(%arg5 : memref<2048xf32, #tpu.memory_space<vmem>>) target_semaphore(%run_scoped3A : memref<!tpu.dma_semaphore, #tpu.memory_space<semaphore_mem>>)
      %dma_wait3A = arith.constant 0 : i32
      %dma_wait3A_490 = tpu.memref_slice %arg2[%add3A_33, %dma_wait3A] : memref<32x2048xf32, #tpu.memory_space<hbm>> -> memref<1x2048xf32, #tpu.memory_space<hbm>>
      %dma_wait3A_491 = tpu.memref_squeeze %dma_wait3A_490 : memref<1x2048xf32, #tpu.memory_space<hbm>> -> memref<2048xf32, #tpu.memory_space<hbm>>
      %dma_wait3A_492 = arith.constant 0 : i32
      %dma_wait3A_493 = tpu.memref_slice %arg2[%add3A_33, %dma_wait3A_492] : memref<32x2048xf32, #tpu.memory_space<hbm>> -> memref<1x2048xf32, #tpu.memory_space<hbm>>
      %dma_wait3A_494 = tpu.memref_squeeze %dma_wait3A_493 : memref<1x2048xf32, #tpu.memory_space<hbm>> -> memref<2048xf32, #tpu.memory_space<hbm>>
      tpu.wait_dma2 semaphore(%run_scoped3A : memref<!tpu.dma_semaphore, #tpu.memory_space<semaphore_mem>>) src(%dma_wait3A_494 : memref<2048xf32, #tpu.memory_space<hbm>>) dst(%arg5 : memref<2048xf32, #tpu.memory_space<vmem>>)
      tpu.yield
    }) : () -> ()
    %iota3A = tpu.iota {dimensions = array<i32: 0>} : vector<16xi32>
    %mul3A_34 = arith.constant 2048 : i32
    %mul3A_35 = arith.muli %select_n3A_30, %mul3A_34 : i32
    %broadcast_in_dim3A = arith.constant -3.000000e+38 : f32
    %broadcast_in_dim3A_36 = vector.broadcast %broadcast_in_dim3A : f32 to vector<16xf32>
    %broadcast_in_dim3A_37 = arith.constant -3.000000e+38 : f32
    %broadcast_in_dim3A_38 = vector.broadcast %broadcast_in_dim3A_37 : f32 to vector<16xf32>
    %broadcast_in_dim3A_39 = arith.constant -3.000000e+38 : f32
    %broadcast_in_dim3A_40 = vector.broadcast %broadcast_in_dim3A_39 : f32 to vector<16xf32>
    %broadcast_in_dim3A_41 = arith.constant -3.000000e+38 : f32
    %broadcast_in_dim3A_42 = vector.broadcast %broadcast_in_dim3A_41 : f32 to vector<16xf32>
    %broadcast_in_dim3A_43 = arith.constant -3.000000e+38 : f32
    %broadcast_in_dim3A_44 = vector.broadcast %broadcast_in_dim3A_43 : f32 to vector<16xf32>
    %broadcast_in_dim3A_45 = arith.constant 0 : i32
    %broadcast_in_dim3A_46 = vector.broadcast %broadcast_in_dim3A_45 : i32 to vector<16xi32>
    %broadcast_in_dim3A_47 = arith.constant 0 : i32
    %broadcast_in_dim3A_48 = vector.broadcast %broadcast_in_dim3A_47 : i32 to vector<16xi32>
    %broadcast_in_dim3A_49 = arith.constant 0 : i32
    %broadcast_in_dim3A_50 = vector.broadcast %broadcast_in_dim3A_49 : i32 to vector<16xi32>
    %broadcast_in_dim3A_51 = arith.constant 0 : i32
    %broadcast_in_dim3A_52 = vector.broadcast %broadcast_in_dim3A_51 : i32 to vector<16xi32>
    %broadcast_in_dim3A_53 = arith.constant 0 : i32
    %broadcast_in_dim3A_54 = vector.broadcast %broadcast_in_dim3A_53 : i32 to vector<16xi32>
    %scan3A = arith.constant 0 : i32
    %scan3A_55 = arith.constant 16 : i32
    %scan3A_56 = arith.addi %scan3A, %scan3A_55 : i32
    %scan3A_57 = arith.constant 1 : i32
    %scan3A_58:10 = scf.for %scan3A_485 = %scan3A to %scan3A_56 step %scan3A_57 iter_args(%scan3A_486 = %broadcast_in_dim3A_36, %scan3A_487 = %broadcast_in_dim3A_38, %scan3A_488 = %broadcast_in_dim3A_40, %scan3A_489 = %broadcast_in_dim3A_42, %scan3A_490 = %broadcast_in_dim3A_44, %scan3A_491 = %broadcast_in_dim3A_46, %scan3A_492 = %broadcast_in_dim3A_48, %scan3A_493 = %broadcast_in_dim3A_50, %scan3A_494 = %broadcast_in_dim3A_52, %scan3A_495 = %broadcast_in_dim3A_54) -> (vector<16xf32>, vector<16xf32>, vector<16xf32>, vector<16xf32>, vector<16xf32>, vector<16xi32>, vector<16xi32>, vector<16xi32>, vector<16xi32>, vector<16xi32>)  : i32 {
      %mul3A_496 = arith.constant 8 : i32
      %mul3A_497 = arith.muli %scan3A_485, %mul3A_496 : i32
      %add3A_498 = arith.constant 0 : i32
      %add3A_499 = arith.addi %mul3A_497, %add3A_498 : i32
      %mul3A_500 = arith.constant 16 : i32
      %mul3A_501 = arith.muli %add3A_499, %mul3A_500 : i32
      %get3A = arith.index_cast %mul3A_501 : i32 to index
      %get3A_502 = tpu.vector_load %arg5[%get3A] {strides = array<i32>} : memref<2048xf32, #tpu.memory_space<vmem>>, vector<16xf32>,
      %add3A_503 = arith.addi %mul3A_35, %mul3A_501 : i32
      %add3A_504 = vector.broadcast %add3A_503 : i32 to vector<16xi32>
      %add3A_505 = arith.addi %add3A_504, %iota3A : vector<16xi32>
      %gt3A = arith.cmpf ogt, %get3A_502, %scan3A_486 : vector<16xf32>
      %select_n3A_506 = arith.select %gt3A, %get3A_502, %scan3A_486 : vector<16xi1>, vector<16xf32>
      %select_n3A_507 = arith.select %gt3A, %add3A_505, %scan3A_491 : vector<16xi1>, vector<16xi32>
      %select_n3A_508 = arith.select %gt3A, %scan3A_486, %get3A_502 : vector<16xi1>, vector<16xf32>
      %select_n3A_509 = arith.select %gt3A, %scan3A_491, %add3A_505 : vector<16xi1>, vector<16xi32>
      %gt3A_510 = arith.cmpf ogt, %select_n3A_508, %scan3A_487 : vector<16xf32>
      %select_n3A_511 = arith.select %gt3A_510, %select_n3A_508, %scan3A_487 : vector<16xi1>, vector<16xf32>
      %select_n3A_512 = arith.select %gt3A_510, %select_n3A_509, %scan3A_492 : vector<16xi1>, vector<16xi32>
      %select_n3A_513 = arith.select %gt3A_510, %scan3A_487, %select_n3A_508 : vector<16xi1>, vector<16xf32>
      %select_n3A_514 = arith.select %gt3A_510, %scan3A_492, %select_n3A_509 : vector<16xi1>, vector<16xi32>
      %gt3A_515 = arith.cmpf ogt, %select_n3A_513, %scan3A_488 : vector<16xf32>
      %select_n3A_516 = arith.select %gt3A_515, %select_n3A_513, %scan3A_488 : vector<16xi1>, vector<16xf32>
      %select_n3A_517 = arith.select %gt3A_515, %select_n3A_514, %scan3A_493 : vector<16xi1>, vector<16xi32>
      %select_n3A_518 = arith.select %gt3A_515, %scan3A_488, %select_n3A_513 : vector<16xi1>, vector<16xf32>
      %select_n3A_519 = arith.select %gt3A_515, %scan3A_493, %select_n3A_514 : vector<16xi1>, vector<16xi32>
      %gt3A_520 = arith.cmpf ogt, %select_n3A_518, %scan3A_489 : vector<16xf32>
      %select_n3A_521 = arith.select %gt3A_520, %select_n3A_518, %scan3A_489 : vector<16xi1>, vector<16xf32>
      %select_n3A_522 = arith.select %gt3A_520, %select_n3A_519, %scan3A_494 : vector<16xi1>, vector<16xi32>
      %select_n3A_523 = arith.select %gt3A_520, %scan3A_489, %select_n3A_518 : vector<16xi1>, vector<16xf32>
      %select_n3A_524 = arith.select %gt3A_520, %scan3A_494, %select_n3A_519 : vector<16xi1>, vector<16xi32>
      %gt3A_525 = arith.cmpf ogt, %select_n3A_523, %scan3A_490 : vector<16xf32>
      %select_n3A_526 = arith.select %gt3A_525, %select_n3A_523, %scan3A_490 : vector<16xi1>, vector<16xf32>
      %select_n3A_527 = arith.select %gt3A_525, %select_n3A_524, %scan3A_495 : vector<16xi1>, vector<16xi32>
      %select_n3A_528 = arith.select %gt3A_525, %scan3A_490, %select_n3A_523 : vector<16xi1>, vector<16xf32>
      %select_n3A_529 = arith.select %gt3A_525, %scan3A_495, %select_n3A_524 : vector<16xi1>, vector<16xi32>
      %mul3A_530 = arith.constant 8 : i32
      %mul3A_531 = arith.muli %scan3A_485, %mul3A_530 : i32
      %add3A_532 = arith.constant 1 : i32
      %add3A_533 = arith.addi %mul3A_531, %add3A_532 : i32
      %mul3A_534 = arith.constant 16 : i32
      %mul3A_535 = arith.muli %add3A_533, %mul3A_534 : i32
      %get3A_536 = arith.index_cast %mul3A_535 : i32 to index
      %get3A_537 = tpu.vector_load %arg5[%get3A_536] {strides = array<i32>} : memref<2048xf32, #tpu.memory_space<vmem>>, vector<16xf32>,
      %add3A_538 = arith.addi %mul3A_35, %mul3A_535 : i32
      %add3A_539 = vector.broadcast %add3A_538 : i32 to vector<16xi32>
      %add3A_540 = arith.addi %add3A_539, %iota3A : vector<16xi32>
      %gt3A_541 = arith.cmpf ogt, %get3A_537, %select_n3A_506 : vector<16xf32>
      %select_n3A_542 = arith.select %gt3A_541, %get3A_537, %select_n3A_506 : vector<16xi1>, vector<16xf32>
      %select_n3A_543 = arith.select %gt3A_541, %add3A_540, %select_n3A_507 : vector<16xi1>, vector<16xi32>
      %select_n3A_544 = arith.select %gt3A_541, %select_n3A_506, %get3A_537 : vector<16xi1>, vector<16xf32>
      %select_n3A_545 = arith.select %gt3A_541, %select_n3A_507, %add3A_540 : vector<16xi1>, vector<16xi32>
      %gt3A_546 = arith.cmpf ogt, %select_n3A_544, %select_n3A_511 : vector<16xf32>
      %select_n3A_547 = arith.select %gt3A_546, %select_n3A_544, %select_n3A_511 : vector<16xi1>, vector<16xf32>
      %select_n3A_548 = arith.select %gt3A_546, %select_n3A_545, %select_n3A_512 : vector<16xi1>, vector<16xi32>
      %select_n3A_549 = arith.select %gt3A_546, %select_n3A_511, %select_n3A_544 : vector<16xi1>, vector<16xf32>
      %select_n3A_550 = arith.select %gt3A_546, %select_n3A_512, %select_n3A_545 : vector<16xi1>, vector<16xi32>
      %gt3A_551 = arith.cmpf ogt, %select_n3A_549, %select_n3A_516 : vector<16xf32>
      %select_n3A_552 = arith.select %gt3A_551, %select_n3A_549, %select_n3A_516 : vector<16xi1>, vector<16xf32>
      %select_n3A_553 = arith.select %gt3A_551, %select_n3A_550, %select_n3A_517 : vector<16xi1>, vector<16xi32>
      %select_n3A_554 = arith.select %gt3A_551, %select_n3A_516, %select_n3A_549 : vector<16xi1>, vector<16xf32>
      %select_n3A_555 = arith.select %gt3A_551, %select_n3A_517, %select_n3A_550 : vector<16xi1>, vector<16xi32>
      %gt3A_556 = arith.cmpf ogt, %select_n3A_554, %select_n3A_521 : vector<16xf32>
      %select_n3A_557 = arith.select %gt3A_556, %select_n3A_554, %select_n3A_521 : vector<16xi1>, vector<16xf32>
      %select_n3A_558 = arith.select %gt3A_556, %select_n3A_555, %select_n3A_522 : vector<16xi1>, vector<16xi32>
      %select_n3A_559 = arith.select %gt3A_556, %select_n3A_521, %select_n3A_554 : vector<16xi1>, vector<16xf32>
      %select_n3A_560 = arith.select %gt3A_556, %select_n3A_522, %select_n3A_555 : vector<16xi1>, vector<16xi32>
      %gt3A_561 = arith.cmpf ogt, %select_n3A_559, %select_n3A_526 : vector<16xf32>
      %select_n3A_562 = arith.select %gt3A_561, %select_n3A_559, %select_n3A_526 : vector<16xi1>, vector<16xf32>
      %select_n3A_563 = arith.select %gt3A_561, %select_n3A_560, %select_n3A_527 : vector<16xi1>, vector<16xi32>
      %select_n3A_564 = arith.select %gt3A_561, %select_n3A_526, %select_n3A_559 : vector<16xi1>, vector<16xf32>
      %select_n3A_565 = arith.select %gt3A_561, %select_n3A_527, %select_n3A_560 : vector<16xi1>, vector<16xi32>
      %mul3A_566 = arith.constant 8 : i32
      %mul3A_567 = arith.muli %scan3A_485, %mul3A_566 : i32
      %add3A_568 = arith.constant 2 : i32
      %add3A_569 = arith.addi %mul3A_567, %add3A_568 : i32
      %mul3A_570 = arith.constant 16 : i32
      %mul3A_571 = arith.muli %add3A_569, %mul3A_570 : i32
      %get3A_572 = arith.index_cast %mul3A_571 : i32 to index
      %get3A_573 = tpu.vector_load %arg5[%get3A_572] {strides = array<i32>} : memref<2048xf32, #tpu.memory_space<vmem>>, vector<16xf32>,
      %add3A_574 = arith.addi %mul3A_35, %mul3A_571 : i32
      %add3A_575 = vector.broadcast %add3A_574 : i32 to vector<16xi32>
      %add3A_576 = arith.addi %add3A_575, %iota3A : vector<16xi32>
      %gt3A_577 = arith.cmpf ogt, %get3A_573, %select_n3A_542 : vector<16xf32>
      %select_n3A_578 = arith.select %gt3A_577, %get3A_573, %select_n3A_542 : vector<16xi1>, vector<16xf32>
      %select_n3A_579 = arith.select %gt3A_577, %add3A_576, %select_n3A_543 : vector<16xi1>, vector<16xi32>
      %select_n3A_580 = arith.select %gt3A_577, %select_n3A_542, %get3A_573 : vector<16xi1>, vector<16xf32>
      %select_n3A_581 = arith.select %gt3A_577, %select_n3A_543, %add3A_576 : vector<16xi1>, vector<16xi32>
      %gt3A_582 = arith.cmpf ogt, %select_n3A_580, %select_n3A_547 : vector<16xf32>
      %select_n3A_583 = arith.select %gt3A_582, %select_n3A_580, %select_n3A_547 : vector<16xi1>, vector<16xf32>
      %select_n3A_584 = arith.select %gt3A_582, %select_n3A_581, %select_n3A_548 : vector<16xi1>, vector<16xi32>
      %select_n3A_585 = arith.select %gt3A_582, %select_n3A_547, %select_n3A_580 : vector<16xi1>, vector<16xf32>
      %select_n3A_586 = arith.select %gt3A_582, %select_n3A_548, %select_n3A_581 : vector<16xi1>, vector<16xi32>
      %gt3A_587 = arith.cmpf ogt, %select_n3A_585, %select_n3A_552 : vector<16xf32>
      %select_n3A_588 = arith.select %gt3A_587, %select_n3A_585, %select_n3A_552 : vector<16xi1>, vector<16xf32>
      %select_n3A_589 = arith.select %gt3A_587, %select_n3A_586, %select_n3A_553 : vector<16xi1>, vector<16xi32>
      %select_n3A_590 = arith.select %gt3A_587, %select_n3A_552, %select_n3A_585 : vector<16xi1>, vector<16xf32>
      %select_n3A_591 = arith.select %gt3A_587, %select_n3A_553, %select_n3A_586 : vector<16xi1>, vector<16xi32>
      %gt3A_592 = arith.cmpf ogt, %select_n3A_590, %select_n3A_557 : vector<16xf32>
      %select_n3A_593 = arith.select %gt3A_592, %select_n3A_590, %select_n3A_557 : vector<16xi1>, vector<16xf32>
      %select_n3A_594 = arith.select %gt3A_592, %select_n3A_591, %select_n3A_558 : vector<16xi1>, vector<16xi32>
      %select_n3A_595 = arith.select %gt3A_592, %select_n3A_557, %select_n3A_590 : vector<16xi1>, vector<16xf32>
      %select_n3A_596 = arith.select %gt3A_592, %select_n3A_558, %select_n3A_591 : vector<16xi1>, vector<16xi32>
      %gt3A_597 = arith.cmpf ogt, %select_n3A_595, %select_n3A_562 : vector<16xf32>
      %select_n3A_598 = arith.select %gt3A_597, %select_n3A_595, %select_n3A_562 : vector<16xi1>, vector<16xf32>
      %select_n3A_599 = arith.select %gt3A_597, %select_n3A_596, %select_n3A_563 : vector<16xi1>, vector<16xi32>
      %select_n3A_600 = arith.select %gt3A_597, %select_n3A_562, %select_n3A_595 : vector<16xi1>, vector<16xf32>
      %select_n3A_601 = arith.select %gt3A_597, %select_n3A_563, %select_n3A_596 : vector<16xi1>, vector<16xi32>
      %mul3A_602 = arith.constant 8 : i32
      %mul3A_603 = arith.muli %scan3A_485, %mul3A_602 : i32
      %add3A_604 = arith.constant 3 : i32
      %add3A_605 = arith.addi %mul3A_603, %add3A_604 : i32
      %mul3A_606 = arith.constant 16 : i32
      %mul3A_607 = arith.muli %add3A_605, %mul3A_606 : i32
      %get3A_608 = arith.index_cast %mul3A_607 : i32 to index
      %get3A_609 = tpu.vector_load %arg5[%get3A_608] {strides = array<i32>} : memref<2048xf32, #tpu.memory_space<vmem>>, vector<16xf32>,
      %add3A_610 = arith.addi %mul3A_35, %mul3A_607 : i32
      %add3A_611 = vector.broadcast %add3A_610 : i32 to vector<16xi32>
      %add3A_612 = arith.addi %add3A_611, %iota3A : vector<16xi32>
      %gt3A_613 = arith.cmpf ogt, %get3A_609, %select_n3A_578 : vector<16xf32>
      %select_n3A_614 = arith.select %gt3A_613, %get3A_609, %select_n3A_578 : vector<16xi1>, vector<16xf32>
      %select_n3A_615 = arith.select %gt3A_613, %add3A_612, %select_n3A_579 : vector<16xi1>, vector<16xi32>
      %select_n3A_616 = arith.select %gt3A_613, %select_n3A_578, %get3A_609 : vector<16xi1>, vector<16xf32>
      %select_n3A_617 = arith.select %gt3A_613, %select_n3A_579, %add3A_612 : vector<16xi1>, vector<16xi32>
      %gt3A_618 = arith.cmpf ogt, %select_n3A_616, %select_n3A_583 : vector<16xf32>
      %select_n3A_619 = arith.select %gt3A_618, %select_n3A_616, %select_n3A_583 : vector<16xi1>, vector<16xf32>
      %select_n3A_620 = arith.select %gt3A_618, %select_n3A_617, %select_n3A_584 : vector<16xi1>, vector<16xi32>
      %select_n3A_621 = arith.select %gt3A_618, %select_n3A_583, %select_n3A_616 : vector<16xi1>, vector<16xf32>
      %select_n3A_622 = arith.select %gt3A_618, %select_n3A_584, %select_n3A_617 : vector<16xi1>, vector<16xi32>
      %gt3A_623 = arith.cmpf ogt, %select_n3A_621, %select_n3A_588 : vector<16xf32>
      %select_n3A_624 = arith.select %gt3A_623, %select_n3A_621, %select_n3A_588 : vector<16xi1>, vector<16xf32>
      %select_n3A_625 = arith.select %gt3A_623, %select_n3A_622, %select_n3A_589 : vector<16xi1>, vector<16xi32>
      %select_n3A_626 = arith.select %gt3A_623, %select_n3A_588, %select_n3A_621 : vector<16xi1>, vector<16xf32>
      %select_n3A_627 = arith.select %gt3A_623, %select_n3A_589, %select_n3A_622 : vector<16xi1>, vector<16xi32>
      %gt3A_628 = arith.cmpf ogt, %select_n3A_626, %select_n3A_593 : vector<16xf32>
      %select_n3A_629 = arith.select %gt3A_628, %select_n3A_626, %select_n3A_593 : vector<16xi1>, vector<16xf32>
      %select_n3A_630 = arith.select %gt3A_628, %select_n3A_627, %select_n3A_594 : vector<16xi1>, vector<16xi32>
      %select_n3A_631 = arith.select %gt3A_628, %select_n3A_593, %select_n3A_626 : vector<16xi1>, vector<16xf32>
      %select_n3A_632 = arith.select %gt3A_628, %select_n3A_594, %select_n3A_627 : vector<16xi1>, vector<16xi32>
      %gt3A_633 = arith.cmpf ogt, %select_n3A_631, %select_n3A_598 : vector<16xf32>
      %select_n3A_634 = arith.select %gt3A_633, %select_n3A_631, %select_n3A_598 : vector<16xi1>, vector<16xf32>
      %select_n3A_635 = arith.select %gt3A_633, %select_n3A_632, %select_n3A_599 : vector<16xi1>, vector<16xi32>
      %select_n3A_636 = arith.select %gt3A_633, %select_n3A_598, %select_n3A_631 : vector<16xi1>, vector<16xf32>
      %select_n3A_637 = arith.select %gt3A_633, %select_n3A_599, %select_n3A_632 : vector<16xi1>, vector<16xi32>
      %mul3A_638 = arith.constant 8 : i32
      %mul3A_639 = arith.muli %scan3A_485, %mul3A_638 : i32
      %add3A_640 = arith.constant 4 : i32
      %add3A_641 = arith.addi %mul3A_639, %add3A_640 : i32
      %mul3A_642 = arith.constant 16 : i32
      %mul3A_643 = arith.muli %add3A_641, %mul3A_642 : i32
      %get3A_644 = arith.index_cast %mul3A_643 : i32 to index
      %get3A_645 = tpu.vector_load %arg5[%get3A_644] {strides = array<i32>} : memref<2048xf32, #tpu.memory_space<vmem>>, vector<16xf32>,
      %add3A_646 = arith.addi %mul3A_35, %mul3A_643 : i32
      %add3A_647 = vector.broadcast %add3A_646 : i32 to vector<16xi32>
      %add3A_648 = arith.addi %add3A_647, %iota3A : vector<16xi32>
      %gt3A_649 = arith.cmpf ogt, %get3A_645, %select_n3A_614 : vector<16xf32>
      %select_n3A_650 = arith.select %gt3A_649, %get3A_645, %select_n3A_614 : vector<16xi1>, vector<16xf32>
      %select_n3A_651 = arith.select %gt3A_649, %add3A_648, %select_n3A_615 : vector<16xi1>, vector<16xi32>
      %select_n3A_652 = arith.select %gt3A_649, %select_n3A_614, %get3A_645 : vector<16xi1>, vector<16xf32>
      %select_n3A_653 = arith.select %gt3A_649, %select_n3A_615, %add3A_648 : vector<16xi1>, vector<16xi32>
      %gt3A_654 = arith.cmpf ogt, %select_n3A_652, %select_n3A_619 : vector<16xf32>
      %select_n3A_655 = arith.select %gt3A_654, %select_n3A_652, %select_n3A_619 : vector<16xi1>, vector<16xf32>
      %select_n3A_656 = arith.select %gt3A_654, %select_n3A_653, %select_n3A_620 : vector<16xi1>, vector<16xi32>
      %select_n3A_657 = arith.select %gt3A_654, %select_n3A_619, %select_n3A_652 : vector<16xi1>, vector<16xf32>
      %select_n3A_658 = arith.select %gt3A_654, %select_n3A_620, %select_n3A_653 : vector<16xi1>, vector<16xi32>
      %gt3A_659 = arith.cmpf ogt, %select_n3A_657, %select_n3A_624 : vector<16xf32>
      %select_n3A_660 = arith.select %gt3A_659, %select_n3A_657, %select_n3A_624 : vector<16xi1>, vector<16xf32>
      %select_n3A_661 = arith.select %gt3A_659, %select_n3A_658, %select_n3A_625 : vector<16xi1>, vector<16xi32>
      %select_n3A_662 = arith.select %gt3A_659, %select_n3A_624, %select_n3A_657 : vector<16xi1>, vector<16xf32>
      %select_n3A_663 = arith.select %gt3A_659, %select_n3A_625, %select_n3A_658 : vector<16xi1>, vector<16xi32>
      %gt3A_664 = arith.cmpf ogt, %select_n3A_662, %select_n3A_629 : vector<16xf32>
      %select_n3A_665 = arith.select %gt3A_664, %select_n3A_662, %select_n3A_629 : vector<16xi1>, vector<16xf32>
      %select_n3A_666 = arith.select %gt3A_664, %select_n3A_663, %select_n3A_630 : vector<16xi1>, vector<16xi32>
      %select_n3A_667 = arith.select %gt3A_664, %select_n3A_629, %select_n3A_662 : vector<16xi1>, vector<16xf32>
      %select_n3A_668 = arith.select %gt3A_664, %select_n3A_630, %select_n3A_663 : vector<16xi1>, vector<16xi32>
      %gt3A_669 = arith.cmpf ogt, %select_n3A_667, %select_n3A_634 : vector<16xf32>
      %select_n3A_670 = arith.select %gt3A_669, %select_n3A_667, %select_n3A_634 : vector<16xi1>, vector<16xf32>
      %select_n3A_671 = arith.select %gt3A_669, %select_n3A_668, %select_n3A_635 : vector<16xi1>, vector<16xi32>
      %select_n3A_672 = arith.select %gt3A_669, %select_n3A_634, %select_n3A_667 : vector<16xi1>, vector<16xf32>
      %select_n3A_673 = arith.select %gt3A_669, %select_n3A_635, %select_n3A_668 : vector<16xi1>, vector<16xi32>
      %mul3A_674 = arith.constant 8 : i32
      %mul3A_675 = arith.muli %scan3A_485, %mul3A_674 : i32
      %add3A_676 = arith.constant 5 : i32
      %add3A_677 = arith.addi %mul3A_675, %add3A_676 : i32
      %mul3A_678 = arith.constant 16 : i32
      %mul3A_679 = arith.muli %add3A_677, %mul3A_678 : i32
      %get3A_680 = arith.index_cast %mul3A_679 : i32 to index
      %get3A_681 = tpu.vector_load %arg5[%get3A_680] {strides = array<i32>} : memref<2048xf32, #tpu.memory_space<vmem>>, vector<16xf32>,
      %add3A_682 = arith.addi %mul3A_35, %mul3A_679 : i32
      %add3A_683 = vector.broadcast %add3A_682 : i32 to vector<16xi32>
      %add3A_684 = arith.addi %add3A_683, %iota3A : vector<16xi32>
      %gt3A_685 = arith.cmpf ogt, %get3A_681, %select_n3A_650 : vector<16xf32>
      %select_n3A_686 = arith.select %gt3A_685, %get3A_681, %select_n3A_650 : vector<16xi1>, vector<16xf32>
      %select_n3A_687 = arith.select %gt3A_685, %add3A_684, %select_n3A_651 : vector<16xi1>, vector<16xi32>
      %select_n3A_688 = arith.select %gt3A_685, %select_n3A_650, %get3A_681 : vector<16xi1>, vector<16xf32>
      %select_n3A_689 = arith.select %gt3A_685, %select_n3A_651, %add3A_684 : vector<16xi1>, vector<16xi32>
      %gt3A_690 = arith.cmpf ogt, %select_n3A_688, %select_n3A_655 : vector<16xf32>
      %select_n3A_691 = arith.select %gt3A_690, %select_n3A_688, %select_n3A_655 : vector<16xi1>, vector<16xf32>
      %select_n3A_692 = arith.select %gt3A_690, %select_n3A_689, %select_n3A_656 : vector<16xi1>, vector<16xi32>
      %select_n3A_693 = arith.select %gt3A_690, %select_n3A_655, %select_n3A_688 : vector<16xi1>, vector<16xf32>
      %select_n3A_694 = arith.select %gt3A_690, %select_n3A_656, %select_n3A_689 : vector<16xi1>, vector<16xi32>
      %gt3A_695 = arith.cmpf ogt, %select_n3A_693, %select_n3A_660 : vector<16xf32>
      %select_n3A_696 = arith.select %gt3A_695, %select_n3A_693, %select_n3A_660 : vector<16xi1>, vector<16xf32>
      %select_n3A_697 = arith.select %gt3A_695, %select_n3A_694, %select_n3A_661 : vector<16xi1>, vector<16xi32>
      %select_n3A_698 = arith.select %gt3A_695, %select_n3A_660, %select_n3A_693 : vector<16xi1>, vector<16xf32>
      %select_n3A_699 = arith.select %gt3A_695, %select_n3A_661, %select_n3A_694 : vector<16xi1>, vector<16xi32>
      %gt3A_700 = arith.cmpf ogt, %select_n3A_698, %select_n3A_665 : vector<16xf32>
      %select_n3A_701 = arith.select %gt3A_700, %select_n3A_698, %select_n3A_665 : vector<16xi1>, vector<16xf32>
      %select_n3A_702 = arith.select %gt3A_700, %select_n3A_699, %select_n3A_666 : vector<16xi1>, vector<16xi32>
      %select_n3A_703 = arith.select %gt3A_700, %select_n3A_665, %select_n3A_698 : vector<16xi1>, vector<16xf32>
      %select_n3A_704 = arith.select %gt3A_700, %select_n3A_666, %select_n3A_699 : vector<16xi1>, vector<16xi32>
      %gt3A_705 = arith.cmpf ogt, %select_n3A_703, %select_n3A_670 : vector<16xf32>
      %select_n3A_706 = arith.select %gt3A_705, %select_n3A_703, %select_n3A_670 : vector<16xi1>, vector<16xf32>
      %select_n3A_707 = arith.select %gt3A_705, %select_n3A_704, %select_n3A_671 : vector<16xi1>, vector<16xi32>
      %select_n3A_708 = arith.select %gt3A_705, %select_n3A_670, %select_n3A_703 : vector<16xi1>, vector<16xf32>
      %select_n3A_709 = arith.select %gt3A_705, %select_n3A_671, %select_n3A_704 : vector<16xi1>, vector<16xi32>
      %mul3A_710 = arith.constant 8 : i32
      %mul3A_711 = arith.muli %scan3A_485, %mul3A_710 : i32
      %add3A_712 = arith.constant 6 : i32
      %add3A_713 = arith.addi %mul3A_711, %add3A_712 : i32
      %mul3A_714 = arith.constant 16 : i32
      %mul3A_715 = arith.muli %add3A_713, %mul3A_714 : i32
      %get3A_716 = arith.index_cast %mul3A_715 : i32 to index
      %get3A_717 = tpu.vector_load %arg5[%get3A_716] {strides = array<i32>} : memref<2048xf32, #tpu.memory_space<vmem>>, vector<16xf32>,
      %add3A_718 = arith.addi %mul3A_35, %mul3A_715 : i32
      %add3A_719 = vector.broadcast %add3A_718 : i32 to vector<16xi32>
      %add3A_720 = arith.addi %add3A_719, %iota3A : vector<16xi32>
      %gt3A_721 = arith.cmpf ogt, %get3A_717, %select_n3A_686 : vector<16xf32>
      %select_n3A_722 = arith.select %gt3A_721, %get3A_717, %select_n3A_686 : vector<16xi1>, vector<16xf32>
      %select_n3A_723 = arith.select %gt3A_721, %add3A_720, %select_n3A_687 : vector<16xi1>, vector<16xi32>
      %select_n3A_724 = arith.select %gt3A_721, %select_n3A_686, %get3A_717 : vector<16xi1>, vector<16xf32>
      %select_n3A_725 = arith.select %gt3A_721, %select_n3A_687, %add3A_720 : vector<16xi1>, vector<16xi32>
      %gt3A_726 = arith.cmpf ogt, %select_n3A_724, %select_n3A_691 : vector<16xf32>
      %select_n3A_727 = arith.select %gt3A_726, %select_n3A_724, %select_n3A_691 : vector<16xi1>, vector<16xf32>
      %select_n3A_728 = arith.select %gt3A_726, %select_n3A_725, %select_n3A_692 : vector<16xi1>, vector<16xi32>
      %select_n3A_729 = arith.select %gt3A_726, %select_n3A_691, %select_n3A_724 : vector<16xi1>, vector<16xf32>
      %select_n3A_730 = arith.select %gt3A_726, %select_n3A_692, %select_n3A_725 : vector<16xi1>, vector<16xi32>
      %gt3A_731 = arith.cmpf ogt, %select_n3A_729, %select_n3A_696 : vector<16xf32>
      %select_n3A_732 = arith.select %gt3A_731, %select_n3A_729, %select_n3A_696 : vector<16xi1>, vector<16xf32>
      %select_n3A_733 = arith.select %gt3A_731, %select_n3A_730, %select_n3A_697 : vector<16xi1>, vector<16xi32>
      %select_n3A_734 = arith.select %gt3A_731, %select_n3A_696, %select_n3A_729 : vector<16xi1>, vector<16xf32>
      %select_n3A_735 = arith.select %gt3A_731, %select_n3A_697, %select_n3A_730 : vector<16xi1>, vector<16xi32>
      %gt3A_736 = arith.cmpf ogt, %select_n3A_734, %select_n3A_701 : vector<16xf32>
      %select_n3A_737 = arith.select %gt3A_736, %select_n3A_734, %select_n3A_701 : vector<16xi1>, vector<16xf32>
      %select_n3A_738 = arith.select %gt3A_736, %select_n3A_735, %select_n3A_702 : vector<16xi1>, vector<16xi32>
      %select_n3A_739 = arith.select %gt3A_736, %select_n3A_701, %select_n3A_734 : vector<16xi1>, vector<16xf32>
      %select_n3A_740 = arith.select %gt3A_736, %select_n3A_702, %select_n3A_735 : vector<16xi1>, vector<16xi32>
      %gt3A_741 = arith.cmpf ogt, %select_n3A_739, %select_n3A_706 : vector<16xf32>
      %select_n3A_742 = arith.select %gt3A_741, %select_n3A_739, %select_n3A_706 : vector<16xi1>, vector<16xf32>
      %select_n3A_743 = arith.select %gt3A_741, %select_n3A_740, %select_n3A_707 : vector<16xi1>, vector<16xi32>
      %select_n3A_744 = arith.select %gt3A_741, %select_n3A_706, %select_n3A_739 : vector<16xi1>, vector<16xf32>
      %select_n3A_745 = arith.select %gt3A_741, %select_n3A_707, %select_n3A_740 : vector<16xi1>, vector<16xi32>
      %mul3A_746 = arith.constant 8 : i32
      %mul3A_747 = arith.muli %scan3A_485, %mul3A_746 : i32
      %add3A_748 = arith.constant 7 : i32
      %add3A_749 = arith.addi %mul3A_747, %add3A_748 : i32
      %mul3A_750 = arith.constant 16 : i32
      %mul3A_751 = arith.muli %add3A_749, %mul3A_750 : i32
      %get3A_752 = arith.index_cast %mul3A_751 : i32 to index
      %get3A_753 = tpu.vector_load %arg5[%get3A_752] {strides = array<i32>} : memref<2048xf32, #tpu.memory_space<vmem>>, vector<16xf32>,
      %add3A_754 = arith.addi %mul3A_35, %mul3A_751 : i32
      %add3A_755 = vector.broadcast %add3A_754 : i32 to vector<16xi32>
      %add3A_756 = arith.addi %add3A_755, %iota3A : vector<16xi32>
      %gt3A_757 = arith.cmpf ogt, %get3A_753, %select_n3A_722 : vector<16xf32>
      %select_n3A_758 = arith.select %gt3A_757, %get3A_753, %select_n3A_722 : vector<16xi1>, vector<16xf32>
      %select_n3A_759 = arith.select %gt3A_757, %add3A_756, %select_n3A_723 : vector<16xi1>, vector<16xi32>
      %select_n3A_760 = arith.select %gt3A_757, %select_n3A_722, %get3A_753 : vector<16xi1>, vector<16xf32>
      %select_n3A_761 = arith.select %gt3A_757, %select_n3A_723, %add3A_756 : vector<16xi1>, vector<16xi32>
      %gt3A_762 = arith.cmpf ogt, %select_n3A_760, %select_n3A_727 : vector<16xf32>
      %select_n3A_763 = arith.select %gt3A_762, %select_n3A_760, %select_n3A_727 : vector<16xi1>, vector<16xf32>
      %select_n3A_764 = arith.select %gt3A_762, %select_n3A_761, %select_n3A_728 : vector<16xi1>, vector<16xi32>
      %select_n3A_765 = arith.select %gt3A_762, %select_n3A_727, %select_n3A_760 : vector<16xi1>, vector<16xf32>
      %select_n3A_766 = arith.select %gt3A_762, %select_n3A_728, %select_n3A_761 : vector<16xi1>, vector<16xi32>
      %gt3A_767 = arith.cmpf ogt, %select_n3A_765, %select_n3A_732 : vector<16xf32>
      %select_n3A_768 = arith.select %gt3A_767, %select_n3A_765, %select_n3A_732 : vector<16xi1>, vector<16xf32>
      %select_n3A_769 = arith.select %gt3A_767, %select_n3A_766, %select_n3A_733 : vector<16xi1>, vector<16xi32>
      %select_n3A_770 = arith.select %gt3A_767, %select_n3A_732, %select_n3A_765 : vector<16xi1>, vector<16xf32>
      %select_n3A_771 = arith.select %gt3A_767, %select_n3A_733, %select_n3A_766 : vector<16xi1>, vector<16xi32>
      %gt3A_772 = arith.cmpf ogt, %select_n3A_770, %select_n3A_737 : vector<16xf32>
      %select_n3A_773 = arith.select %gt3A_772, %select_n3A_770, %select_n3A_737 : vector<16xi1>, vector<16xf32>
      %select_n3A_774 = arith.select %gt3A_772, %select_n3A_771, %select_n3A_738 : vector<16xi1>, vector<16xi32>
      %select_n3A_775 = arith.select %gt3A_772, %select_n3A_737, %select_n3A_770 : vector<16xi1>, vector<16xf32>
      %select_n3A_776 = arith.select %gt3A_772, %select_n3A_738, %select_n3A_771 : vector<16xi1>, vector<16xi32>
      %gt3A_777 = arith.cmpf ogt, %select_n3A_775, %select_n3A_742 : vector<16xf32>
      %select_n3A_778 = arith.select %gt3A_777, %select_n3A_775, %select_n3A_742 : vector<16xi1>, vector<16xf32>
      %select_n3A_779 = arith.select %gt3A_777, %select_n3A_776, %select_n3A_743 : vector<16xi1>, vector<16xi32>
      %select_n3A_780 = arith.select %gt3A_777, %select_n3A_742, %select_n3A_775 : vector<16xi1>, vector<16xf32>
      %select_n3A_781 = arith.select %gt3A_777, %select_n3A_743, %select_n3A_776 : vector<16xi1>, vector<16xi32>
      scf.yield %select_n3A_758, %select_n3A_763, %select_n3A_768, %select_n3A_773, %select_n3A_778, %select_n3A_759, %select_n3A_764, %select_n3A_769, %select_n3A_774, %select_n3A_779 : vector<16xf32>, vector<16xf32>, vector<16xf32>, vector<16xf32>, vector<16xf32>, vector<16xi32>, vector<16xi32>, vector<16xi32>, vector<16xi32>, vector<16xi32>
    }
    %scan3A_59 = arith.constant 16 : i32
    %broadcast_in_dim3A_60 = arith.constant -3.000000e+38 : f32
    %broadcast_in_dim3A_61 = vector.broadcast %broadcast_in_dim3A_60 : f32 to vector<16xf32>
    %broadcast_in_dim3A_62 = arith.constant 0 : i32
    %broadcast_in_dim3A_63 = vector.broadcast %broadcast_in_dim3A_62 : i32 to vector<16xi32>
    %max3A = arith.maximumf %scan3A_58#0, %scan3A_58#1 : vector<16xf32>
    %max3A_64 = arith.maximumf %max3A, %scan3A_58#2 : vector<16xf32>
    %max3A_65 = arith.maximumf %max3A_64, %scan3A_58#3 : vector<16xf32>
    %max3A_66 = arith.maximumf %max3A_65, %scan3A_58#4 : vector<16xf32>
    %reduce_max3A = arith.constant true
    %reduce_max3A_67 = vector.broadcast %reduce_max3A : i1 to vector<16xi1>
    %reduce_max3A_68 = tpu.scan <max>, %max3A_66 masked %reduce_max3A_67 : vector<16xf32>, vector<16xi1> -> vector<16xf32>
    %reduce_max3A_69 = vector.extract %reduce_max3A_68[15] : f32 from vector<16xf32>
    %broadcast_in_dim3A_70 = arith.constant 2147483647 : i32
    %broadcast_in_dim3A_71 = vector.broadcast %broadcast_in_dim3A_70 : i32 to vector<16xi32>
    %eq3A_72 = vector.broadcast %reduce_max3A_69 : f32 to vector<16xf32>
    %eq3A_73 = arith.cmpf oeq, %scan3A_58#0, %eq3A_72 : vector<16xf32>
    %jit3A_74 = arith.constant 2147483647 : i32
    %broadcast_in_dim3A_75 = vector.broadcast %jit3A_74 : i32 to vector<16xi32>
    %select_n3A_76 = arith.select %eq3A_73, %scan3A_58#5, %broadcast_in_dim3A_75 : vector<16xi1>, vector<16xi32>
    %min3A = arith.minsi %broadcast_in_dim3A_71, %select_n3A_76 : vector<16xi32>
    %eq3A_77 = vector.broadcast %reduce_max3A_69 : f32 to vector<16xf32>
    %eq3A_78 = arith.cmpf oeq, %scan3A_58#1, %eq3A_77 : vector<16xf32>
    %jit3A_79 = arith.constant 2147483647 : i32
    %broadcast_in_dim3A_80 = vector.broadcast %jit3A_79 : i32 to vector<16xi32>
    %select_n3A_81 = arith.select %eq3A_78, %scan3A_58#6, %broadcast_in_dim3A_80 : vector<16xi1>, vector<16xi32>
    %min3A_82 = arith.minsi %min3A, %select_n3A_81 : vector<16xi32>
    %eq3A_83 = vector.broadcast %reduce_max3A_69 : f32 to vector<16xf32>
    %eq3A_84 = arith.cmpf oeq, %scan3A_58#2, %eq3A_83 : vector<16xf32>
    %jit3A_85 = arith.constant 2147483647 : i32
    %broadcast_in_dim3A_86 = vector.broadcast %jit3A_85 : i32 to vector<16xi32>
    %select_n3A_87 = arith.select %eq3A_84, %scan3A_58#7, %broadcast_in_dim3A_86 : vector<16xi1>, vector<16xi32>
    %min3A_88 = arith.minsi %min3A_82, %select_n3A_87 : vector<16xi32>
    %eq3A_89 = vector.broadcast %reduce_max3A_69 : f32 to vector<16xf32>
    %eq3A_90 = arith.cmpf oeq, %scan3A_58#3, %eq3A_89 : vector<16xf32>
    %jit3A_91 = arith.constant 2147483647 : i32
    %broadcast_in_dim3A_92 = vector.broadcast %jit3A_91 : i32 to vector<16xi32>
    %select_n3A_93 = arith.select %eq3A_90, %scan3A_58#8, %broadcast_in_dim3A_92 : vector<16xi1>, vector<16xi32>
    %min3A_94 = arith.minsi %min3A_88, %select_n3A_93 : vector<16xi32>
    %eq3A_95 = vector.broadcast %reduce_max3A_69 : f32 to vector<16xf32>
    %eq3A_96 = arith.cmpf oeq, %scan3A_58#4, %eq3A_95 : vector<16xf32>
    %jit3A_97 = arith.constant 2147483647 : i32
    %broadcast_in_dim3A_98 = vector.broadcast %jit3A_97 : i32 to vector<16xi32>
    %select_n3A_99 = arith.select %eq3A_96, %scan3A_58#9, %broadcast_in_dim3A_98 : vector<16xi1>, vector<16xi32>
    %min3A_100 = arith.minsi %min3A_94, %select_n3A_99 : vector<16xi32>
    %reduce_min3A = arith.constant true
    %reduce_min3A_101 = vector.broadcast %reduce_min3A : i1 to vector<16xi1>
    %reduce_min3A_102 = arith.constant -2147483648 : i32
    %reduce_min3A_103 = vector.broadcast %reduce_min3A_102 : i32 to vector<16xi32>
    %reduce_min3A_104 = arith.xori %min3A_100, %reduce_min3A_103 : vector<16xi32>
    %reduce_min3A_105 = tpu.scan <min>, %reduce_min3A_104 masked %reduce_min3A_101 : vector<16xi32>, vector<16xi1> -> vector<16xi32>
    %reduce_min3A_106 = arith.xori %reduce_min3A_105, %reduce_min3A_103 : vector<16xi32>
    %reduce_min3A_107 = vector.extract %reduce_min3A_106[15] : i32 from vector<16xi32>
    %eq3A_108 = vector.broadcast %reduce_min3A_107 : i32 to vector<16xi32>
    %eq3A_109 = arith.cmpi eq, %scan3A_58#5, %eq3A_108 : vector<16xi32>
    %jit3A_110 = arith.constant -3.000000e+38 : f32
    %broadcast_in_dim3A_111 = vector.broadcast %jit3A_110 : f32 to vector<16xf32>
    %select_n3A_112 = arith.select %eq3A_109, %broadcast_in_dim3A_111, %scan3A_58#0 : vector<16xi1>, vector<16xf32>
    %eq3A_113 = vector.broadcast %reduce_min3A_107 : i32 to vector<16xi32>
    %eq3A_114 = arith.cmpi eq, %scan3A_58#6, %eq3A_113 : vector<16xi32>
    %jit3A_115 = arith.constant -3.000000e+38 : f32
    %broadcast_in_dim3A_116 = vector.broadcast %jit3A_115 : f32 to vector<16xf32>
    %select_n3A_117 = arith.select %eq3A_114, %broadcast_in_dim3A_116, %scan3A_58#1 : vector<16xi1>, vector<16xf32>
    %eq3A_118 = vector.broadcast %reduce_min3A_107 : i32 to vector<16xi32>
    %eq3A_119 = arith.cmpi eq, %scan3A_58#7, %eq3A_118 : vector<16xi32>
    %jit3A_120 = arith.constant -3.000000e+38 : f32
    %broadcast_in_dim3A_121 = vector.broadcast %jit3A_120 : f32 to vector<16xf32>
    %select_n3A_122 = arith.select %eq3A_119, %broadcast_in_dim3A_121, %scan3A_58#2 : vector<16xi1>, vector<16xf32>
    %eq3A_123 = vector.broadcast %reduce_min3A_107 : i32 to vector<16xi32>
    %eq3A_124 = arith.cmpi eq, %scan3A_58#8, %eq3A_123 : vector<16xi32>
    %jit3A_125 = arith.constant -3.000000e+38 : f32
    %broadcast_in_dim3A_126 = vector.broadcast %jit3A_125 : f32 to vector<16xf32>
    %select_n3A_127 = arith.select %eq3A_124, %broadcast_in_dim3A_126, %scan3A_58#3 : vector<16xi1>, vector<16xf32>
    %eq3A_128 = vector.broadcast %reduce_min3A_107 : i32 to vector<16xi32>
    %eq3A_129 = arith.cmpi eq, %scan3A_58#9, %eq3A_128 : vector<16xi32>
    %jit3A_130 = arith.constant -3.000000e+38 : f32
    %broadcast_in_dim3A_131 = vector.broadcast %jit3A_130 : f32 to vector<16xf32>
    %select_n3A_132 = arith.select %eq3A_129, %broadcast_in_dim3A_131, %scan3A_58#4 : vector<16xi1>, vector<16xf32>
    %eq3A_133 = arith.constant 0 : i32
    %eq3A_134 = vector.broadcast %eq3A_133 : i32 to vector<16xi32>
    %eq3A_135 = arith.cmpi eq, %iota3A, %eq3A_134 : vector<16xi32>
    %broadcast_in_dim3A_136 = vector.broadcast %reduce_max3A_69 : f32 to vector<16xf32>
    %select_n3A_137 = arith.select %eq3A_135, %broadcast_in_dim3A_136, %broadcast_in_dim3A_61 : vector<16xi1>, vector<16xf32>
    %eq3A_138 = arith.constant 0 : i32
    %eq3A_139 = vector.broadcast %eq3A_138 : i32 to vector<16xi32>
    %eq3A_140 = arith.cmpi eq, %iota3A, %eq3A_139 : vector<16xi32>
    %broadcast_in_dim3A_141 = vector.broadcast %reduce_min3A_107 : i32 to vector<16xi32>
    %select_n3A_142 = arith.select %eq3A_140, %broadcast_in_dim3A_141, %broadcast_in_dim3A_63 : vector<16xi1>, vector<16xi32>
    %max3A_143 = arith.maximumf %select_n3A_112, %select_n3A_117 : vector<16xf32>
    %max3A_144 = arith.maximumf %max3A_143, %select_n3A_122 : vector<16xf32>
    %max3A_145 = arith.maximumf %max3A_144, %select_n3A_127 : vector<16xf32>
    %max3A_146 = arith.maximumf %max3A_145, %select_n3A_132 : vector<16xf32>
    %reduce_max3A_147 = arith.constant true
    %reduce_max3A_148 = vector.broadcast %reduce_max3A_147 : i1 to vector<16xi1>
    %reduce_max3A_149 = tpu.scan <max>, %max3A_146 masked %reduce_max3A_148 : vector<16xf32>, vector<16xi1> -> vector<16xf32>
    %reduce_max3A_150 = vector.extract %reduce_max3A_149[15] : f32 from vector<16xf32>
    %broadcast_in_dim3A_151 = arith.constant 2147483647 : i32
    %broadcast_in_dim3A_152 = vector.broadcast %broadcast_in_dim3A_151 : i32 to vector<16xi32>
    %eq3A_153 = vector.broadcast %reduce_max3A_150 : f32 to vector<16xf32>
    %eq3A_154 = arith.cmpf oeq, %select_n3A_112, %eq3A_153 : vector<16xf32>
    %jit3A_155 = arith.constant 2147483647 : i32
    %broadcast_in_dim3A_156 = vector.broadcast %jit3A_155 : i32 to vector<16xi32>
    %select_n3A_157 = arith.select %eq3A_154, %scan3A_58#5, %broadcast_in_dim3A_156 : vector<16xi1>, vector<16xi32>
    %min3A_158 = arith.minsi %broadcast_in_dim3A_152, %select_n3A_157 : vector<16xi32>
    %eq3A_159 = vector.broadcast %reduce_max3A_150 : f32 to vector<16xf32>
    %eq3A_160 = arith.cmpf oeq, %select_n3A_117, %eq3A_159 : vector<16xf32>
    %jit3A_161 = arith.constant 2147483647 : i32
    %broadcast_in_dim3A_162 = vector.broadcast %jit3A_161 : i32 to vector<16xi32>
    %select_n3A_163 = arith.select %eq3A_160, %scan3A_58#6, %broadcast_in_dim3A_162 : vector<16xi1>, vector<16xi32>
    %min3A_164 = arith.minsi %min3A_158, %select_n3A_163 : vector<16xi32>
    %eq3A_165 = vector.broadcast %reduce_max3A_150 : f32 to vector<16xf32>
    %eq3A_166 = arith.cmpf oeq, %select_n3A_122, %eq3A_165 : vector<16xf32>
    %jit3A_167 = arith.constant 2147483647 : i32
    %broadcast_in_dim3A_168 = vector.broadcast %jit3A_167 : i32 to vector<16xi32>
    %select_n3A_169 = arith.select %eq3A_166, %scan3A_58#7, %broadcast_in_dim3A_168 : vector<16xi1>, vector<16xi32>
    %min3A_170 = arith.minsi %min3A_164, %select_n3A_169 : vector<16xi32>
    %eq3A_171 = vector.broadcast %reduce_max3A_150 : f32 to vector<16xf32>
    %eq3A_172 = arith.cmpf oeq, %select_n3A_127, %eq3A_171 : vector<16xf32>
    %jit3A_173 = arith.constant 2147483647 : i32
    %broadcast_in_dim3A_174 = vector.broadcast %jit3A_173 : i32 to vector<16xi32>
    %select_n3A_175 = arith.select %eq3A_172, %scan3A_58#8, %broadcast_in_dim3A_174 : vector<16xi1>, vector<16xi32>
    %min3A_176 = arith.minsi %min3A_170, %select_n3A_175 : vector<16xi32>
    %eq3A_177 = vector.broadcast %reduce_max3A_150 : f32 to vector<16xf32>
    %eq3A_178 = arith.cmpf oeq, %select_n3A_132, %eq3A_177 : vector<16xf32>
    %jit3A_179 = arith.constant 2147483647 : i32
    %broadcast_in_dim3A_180 = vector.broadcast %jit3A_179 : i32 to vector<16xi32>
    %select_n3A_181 = arith.select %eq3A_178, %scan3A_58#9, %broadcast_in_dim3A_180 : vector<16xi1>, vector<16xi32>
    %min3A_182 = arith.minsi %min3A_176, %select_n3A_181 : vector<16xi32>
    %reduce_min3A_183 = arith.constant true
    %reduce_min3A_184 = vector.broadcast %reduce_min3A_183 : i1 to vector<16xi1>
    %reduce_min3A_185 = arith.constant -2147483648 : i32
    %reduce_min3A_186 = vector.broadcast %reduce_min3A_185 : i32 to vector<16xi32>
    %reduce_min3A_187 = arith.xori %min3A_182, %reduce_min3A_186 : vector<16xi32>
    %reduce_min3A_188 = tpu.scan <min>, %reduce_min3A_187 masked %reduce_min3A_184 : vector<16xi32>, vector<16xi1> -> vector<16xi32>
    %reduce_min3A_189 = arith.xori %reduce_min3A_188, %reduce_min3A_186 : vector<16xi32>
    %reduce_min3A_190 = vector.extract %reduce_min3A_189[15] : i32 from vector<16xi32>
    %eq3A_191 = vector.broadcast %reduce_min3A_190 : i32 to vector<16xi32>
    %eq3A_192 = arith.cmpi eq, %scan3A_58#5, %eq3A_191 : vector<16xi32>
    %jit3A_193 = arith.constant -3.000000e+38 : f32
    %broadcast_in_dim3A_194 = vector.broadcast %jit3A_193 : f32 to vector<16xf32>
    %select_n3A_195 = arith.select %eq3A_192, %broadcast_in_dim3A_194, %select_n3A_112 : vector<16xi1>, vector<16xf32>
    %eq3A_196 = vector.broadcast %reduce_min3A_190 : i32 to vector<16xi32>
    %eq3A_197 = arith.cmpi eq, %scan3A_58#6, %eq3A_196 : vector<16xi32>
    %jit3A_198 = arith.constant -3.000000e+38 : f32
    %broadcast_in_dim3A_199 = vector.broadcast %jit3A_198 : f32 to vector<16xf32>
    %select_n3A_200 = arith.select %eq3A_197, %broadcast_in_dim3A_199, %select_n3A_117 : vector<16xi1>, vector<16xf32>
    %eq3A_201 = vector.broadcast %reduce_min3A_190 : i32 to vector<16xi32>
    %eq3A_202 = arith.cmpi eq, %scan3A_58#7, %eq3A_201 : vector<16xi32>
    %jit3A_203 = arith.constant -3.000000e+38 : f32
    %broadcast_in_dim3A_204 = vector.broadcast %jit3A_203 : f32 to vector<16xf32>
    %select_n3A_205 = arith.select %eq3A_202, %broadcast_in_dim3A_204, %select_n3A_122 : vector<16xi1>, vector<16xf32>
    %eq3A_206 = vector.broadcast %reduce_min3A_190 : i32 to vector<16xi32>
    %eq3A_207 = arith.cmpi eq, %scan3A_58#8, %eq3A_206 : vector<16xi32>
    %jit3A_208 = arith.constant -3.000000e+38 : f32
    %broadcast_in_dim3A_209 = vector.broadcast %jit3A_208 : f32 to vector<16xf32>
    %select_n3A_210 = arith.select %eq3A_207, %broadcast_in_dim3A_209, %select_n3A_127 : vector<16xi1>, vector<16xf32>
    %eq3A_211 = vector.broadcast %reduce_min3A_190 : i32 to vector<16xi32>
    %eq3A_212 = arith.cmpi eq, %scan3A_58#9, %eq3A_211 : vector<16xi32>
    %jit3A_213 = arith.constant -3.000000e+38 : f32
    %broadcast_in_dim3A_214 = vector.broadcast %jit3A_213 : f32 to vector<16xf32>
    %select_n3A_215 = arith.select %eq3A_212, %broadcast_in_dim3A_214, %select_n3A_132 : vector<16xi1>, vector<16xf32>
    %eq3A_216 = arith.constant 1 : i32
    %eq3A_217 = vector.broadcast %eq3A_216 : i32 to vector<16xi32>
    %eq3A_218 = arith.cmpi eq, %iota3A, %eq3A_217 : vector<16xi32>
    %broadcast_in_dim3A_219 = vector.broadcast %reduce_max3A_150 : f32 to vector<16xf32>
    %select_n3A_220 = arith.select %eq3A_218, %broadcast_in_dim3A_219, %select_n3A_137 : vector<16xi1>, vector<16xf32>
    %eq3A_221 = arith.constant 1 : i32
    %eq3A_222 = vector.broadcast %eq3A_221 : i32 to vector<16xi32>
    %eq3A_223 = arith.cmpi eq, %iota3A, %eq3A_222 : vector<16xi32>
    %broadcast_in_dim3A_224 = vector.broadcast %reduce_min3A_190 : i32 to vector<16xi32>
    %select_n3A_225 = arith.select %eq3A_223, %broadcast_in_dim3A_224, %select_n3A_142 : vector<16xi1>, vector<16xi32>
    %max3A_226 = arith.maximumf %select_n3A_195, %select_n3A_200 : vector<16xf32>
    %max3A_227 = arith.maximumf %max3A_226, %select_n3A_205 : vector<16xf32>
    %max3A_228 = arith.maximumf %max3A_227, %select_n3A_210 : vector<16xf32>
    %max3A_229 = arith.maximumf %max3A_228, %select_n3A_215 : vector<16xf32>
    %reduce_max3A_230 = arith.constant true
    %reduce_max3A_231 = vector.broadcast %reduce_max3A_230 : i1 to vector<16xi1>
    %reduce_max3A_232 = tpu.scan <max>, %max3A_229 masked %reduce_max3A_231 : vector<16xf32>, vector<16xi1> -> vector<16xf32>
    %reduce_max3A_233 = vector.extract %reduce_max3A_232[15] : f32 from vector<16xf32>
    %broadcast_in_dim3A_234 = arith.constant 2147483647 : i32
    %broadcast_in_dim3A_235 = vector.broadcast %broadcast_in_dim3A_234 : i32 to vector<16xi32>
    %eq3A_236 = vector.broadcast %reduce_max3A_233 : f32 to vector<16xf32>
    %eq3A_237 = arith.cmpf oeq, %select_n3A_195, %eq3A_236 : vector<16xf32>
    %jit3A_238 = arith.constant 2147483647 : i32
    %broadcast_in_dim3A_239 = vector.broadcast %jit3A_238 : i32 to vector<16xi32>
    %select_n3A_240 = arith.select %eq3A_237, %scan3A_58#5, %broadcast_in_dim3A_239 : vector<16xi1>, vector<16xi32>
    %min3A_241 = arith.minsi %broadcast_in_dim3A_235, %select_n3A_240 : vector<16xi32>
    %eq3A_242 = vector.broadcast %reduce_max3A_233 : f32 to vector<16xf32>
    %eq3A_243 = arith.cmpf oeq, %select_n3A_200, %eq3A_242 : vector<16xf32>
    %jit3A_244 = arith.constant 2147483647 : i32
    %broadcast_in_dim3A_245 = vector.broadcast %jit3A_244 : i32 to vector<16xi32>
    %select_n3A_246 = arith.select %eq3A_243, %scan3A_58#6, %broadcast_in_dim3A_245 : vector<16xi1>, vector<16xi32>
    %min3A_247 = arith.minsi %min3A_241, %select_n3A_246 : vector<16xi32>
    %eq3A_248 = vector.broadcast %reduce_max3A_233 : f32 to vector<16xf32>
    %eq3A_249 = arith.cmpf oeq, %select_n3A_205, %eq3A_248 : vector<16xf32>
    %jit3A_250 = arith.constant 2147483647 : i32
    %broadcast_in_dim3A_251 = vector.broadcast %jit3A_250 : i32 to vector<16xi32>
    %select_n3A_252 = arith.select %eq3A_249, %scan3A_58#7, %broadcast_in_dim3A_251 : vector<16xi1>, vector<16xi32>
    %min3A_253 = arith.minsi %min3A_247, %select_n3A_252 : vector<16xi32>
    %eq3A_254 = vector.broadcast %reduce_max3A_233 : f32 to vector<16xf32>
    %eq3A_255 = arith.cmpf oeq, %select_n3A_210, %eq3A_254 : vector<16xf32>
    %jit3A_256 = arith.constant 2147483647 : i32
    %broadcast_in_dim3A_257 = vector.broadcast %jit3A_256 : i32 to vector<16xi32>
    %select_n3A_258 = arith.select %eq3A_255, %scan3A_58#8, %broadcast_in_dim3A_257 : vector<16xi1>, vector<16xi32>
    %min3A_259 = arith.minsi %min3A_253, %select_n3A_258 : vector<16xi32>
    %eq3A_260 = vector.broadcast %reduce_max3A_233 : f32 to vector<16xf32>
    %eq3A_261 = arith.cmpf oeq, %select_n3A_215, %eq3A_260 : vector<16xf32>
    %jit3A_262 = arith.constant 2147483647 : i32
    %broadcast_in_dim3A_263 = vector.broadcast %jit3A_262 : i32 to vector<16xi32>
    %select_n3A_264 = arith.select %eq3A_261, %scan3A_58#9, %broadcast_in_dim3A_263 : vector<16xi1>, vector<16xi32>
    %min3A_265 = arith.minsi %min3A_259, %select_n3A_264 : vector<16xi32>
    %reduce_min3A_266 = arith.constant true
    %reduce_min3A_267 = vector.broadcast %reduce_min3A_266 : i1 to vector<16xi1>
    %reduce_min3A_268 = arith.constant -2147483648 : i32
    %reduce_min3A_269 = vector.broadcast %reduce_min3A_268 : i32 to vector<16xi32>
    %reduce_min3A_270 = arith.xori %min3A_265, %reduce_min3A_269 : vector<16xi32>
    %reduce_min3A_271 = tpu.scan <min>, %reduce_min3A_270 masked %reduce_min3A_267 : vector<16xi32>, vector<16xi1> -> vector<16xi32>
    %reduce_min3A_272 = arith.xori %reduce_min3A_271, %reduce_min3A_269 : vector<16xi32>
    %reduce_min3A_273 = vector.extract %reduce_min3A_272[15] : i32 from vector<16xi32>
    %eq3A_274 = vector.broadcast %reduce_min3A_273 : i32 to vector<16xi32>
    %eq3A_275 = arith.cmpi eq, %scan3A_58#5, %eq3A_274 : vector<16xi32>
    %jit3A_276 = arith.constant -3.000000e+38 : f32
    %broadcast_in_dim3A_277 = vector.broadcast %jit3A_276 : f32 to vector<16xf32>
    %select_n3A_278 = arith.select %eq3A_275, %broadcast_in_dim3A_277, %select_n3A_195 : vector<16xi1>, vector<16xf32>
    %eq3A_279 = vector.broadcast %reduce_min3A_273 : i32 to vector<16xi32>
    %eq3A_280 = arith.cmpi eq, %scan3A_58#6, %eq3A_279 : vector<16xi32>
    %jit3A_281 = arith.constant -3.000000e+38 : f32
    %broadcast_in_dim3A_282 = vector.broadcast %jit3A_281 : f32 to vector<16xf32>
    %select_n3A_283 = arith.select %eq3A_280, %broadcast_in_dim3A_282, %select_n3A_200 : vector<16xi1>, vector<16xf32>
    %eq3A_284 = vector.broadcast %reduce_min3A_273 : i32 to vector<16xi32>
    %eq3A_285 = arith.cmpi eq, %scan3A_58#7, %eq3A_284 : vector<16xi32>
    %jit3A_286 = arith.constant -3.000000e+38 : f32
    %broadcast_in_dim3A_287 = vector.broadcast %jit3A_286 : f32 to vector<16xf32>
    %select_n3A_288 = arith.select %eq3A_285, %broadcast_in_dim3A_287, %select_n3A_205 : vector<16xi1>, vector<16xf32>
    %eq3A_289 = vector.broadcast %reduce_min3A_273 : i32 to vector<16xi32>
    %eq3A_290 = arith.cmpi eq, %scan3A_58#8, %eq3A_289 : vector<16xi32>
    %jit3A_291 = arith.constant -3.000000e+38 : f32
    %broadcast_in_dim3A_292 = vector.broadcast %jit3A_291 : f32 to vector<16xf32>
    %select_n3A_293 = arith.select %eq3A_290, %broadcast_in_dim3A_292, %select_n3A_210 : vector<16xi1>, vector<16xf32>
    %eq3A_294 = vector.broadcast %reduce_min3A_273 : i32 to vector<16xi32>
    %eq3A_295 = arith.cmpi eq, %scan3A_58#9, %eq3A_294 : vector<16xi32>
    %jit3A_296 = arith.constant -3.000000e+38 : f32
    %broadcast_in_dim3A_297 = vector.broadcast %jit3A_296 : f32 to vector<16xf32>
    %select_n3A_298 = arith.select %eq3A_295, %broadcast_in_dim3A_297, %select_n3A_215 : vector<16xi1>, vector<16xf32>
    %eq3A_299 = arith.constant 2 : i32
    %eq3A_300 = vector.broadcast %eq3A_299 : i32 to vector<16xi32>
    %eq3A_301 = arith.cmpi eq, %iota3A, %eq3A_300 : vector<16xi32>
    %broadcast_in_dim3A_302 = vector.broadcast %reduce_max3A_233 : f32 to vector<16xf32>
    %select_n3A_303 = arith.select %eq3A_301, %broadcast_in_dim3A_302, %select_n3A_220 : vector<16xi1>, vector<16xf32>
    %eq3A_304 = arith.constant 2 : i32
    %eq3A_305 = vector.broadcast %eq3A_304 : i32 to vector<16xi32>
    %eq3A_306 = arith.cmpi eq, %iota3A, %eq3A_305 : vector<16xi32>
    %broadcast_in_dim3A_307 = vector.broadcast %reduce_min3A_273 : i32 to vector<16xi32>
    %select_n3A_308 = arith.select %eq3A_306, %broadcast_in_dim3A_307, %select_n3A_225 : vector<16xi1>, vector<16xi32>
    %max3A_309 = arith.maximumf %select_n3A_278, %select_n3A_283 : vector<16xf32>
    %max3A_310 = arith.maximumf %max3A_309, %select_n3A_288 : vector<16xf32>
    %max3A_311 = arith.maximumf %max3A_310, %select_n3A_293 : vector<16xf32>
    %max3A_312 = arith.maximumf %max3A_311, %select_n3A_298 : vector<16xf32>
    %reduce_max3A_313 = arith.constant true
    %reduce_max3A_314 = vector.broadcast %reduce_max3A_313 : i1 to vector<16xi1>
    %reduce_max3A_315 = tpu.scan <max>, %max3A_312 masked %reduce_max3A_314 : vector<16xf32>, vector<16xi1> -> vector<16xf32>
    %reduce_max3A_316 = vector.extract %reduce_max3A_315[15] : f32 from vector<16xf32>
    %broadcast_in_dim3A_317 = arith.constant 2147483647 : i32
    %broadcast_in_dim3A_318 = vector.broadcast %broadcast_in_dim3A_317 : i32 to vector<16xi32>
    %eq3A_319 = vector.broadcast %reduce_max3A_316 : f32 to vector<16xf32>
    %eq3A_320 = arith.cmpf oeq, %select_n3A_278, %eq3A_319 : vector<16xf32>
    %jit3A_321 = arith.constant 2147483647 : i32
    %broadcast_in_dim3A_322 = vector.broadcast %jit3A_321 : i32 to vector<16xi32>
    %select_n3A_323 = arith.select %eq3A_320, %scan3A_58#5, %broadcast_in_dim3A_322 : vector<16xi1>, vector<16xi32>
    %min3A_324 = arith.minsi %broadcast_in_dim3A_318, %select_n3A_323 : vector<16xi32>
    %eq3A_325 = vector.broadcast %reduce_max3A_316 : f32 to vector<16xf32>
    %eq3A_326 = arith.cmpf oeq, %select_n3A_283, %eq3A_325 : vector<16xf32>
    %jit3A_327 = arith.constant 2147483647 : i32
    %broadcast_in_dim3A_328 = vector.broadcast %jit3A_327 : i32 to vector<16xi32>
    %select_n3A_329 = arith.select %eq3A_326, %scan3A_58#6, %broadcast_in_dim3A_328 : vector<16xi1>, vector<16xi32>
    %min3A_330 = arith.minsi %min3A_324, %select_n3A_329 : vector<16xi32>
    %eq3A_331 = vector.broadcast %reduce_max3A_316 : f32 to vector<16xf32>
    %eq3A_332 = arith.cmpf oeq, %select_n3A_288, %eq3A_331 : vector<16xf32>
    %jit3A_333 = arith.constant 2147483647 : i32
    %broadcast_in_dim3A_334 = vector.broadcast %jit3A_333 : i32 to vector<16xi32>
    %select_n3A_335 = arith.select %eq3A_332, %scan3A_58#7, %broadcast_in_dim3A_334 : vector<16xi1>, vector<16xi32>
    %min3A_336 = arith.minsi %min3A_330, %select_n3A_335 : vector<16xi32>
    %eq3A_337 = vector.broadcast %reduce_max3A_316 : f32 to vector<16xf32>
    %eq3A_338 = arith.cmpf oeq, %select_n3A_293, %eq3A_337 : vector<16xf32>
    %jit3A_339 = arith.constant 2147483647 : i32
    %broadcast_in_dim3A_340 = vector.broadcast %jit3A_339 : i32 to vector<16xi32>
    %select_n3A_341 = arith.select %eq3A_338, %scan3A_58#8, %broadcast_in_dim3A_340 : vector<16xi1>, vector<16xi32>
    %min3A_342 = arith.minsi %min3A_336, %select_n3A_341 : vector<16xi32>
    %eq3A_343 = vector.broadcast %reduce_max3A_316 : f32 to vector<16xf32>
    %eq3A_344 = arith.cmpf oeq, %select_n3A_298, %eq3A_343 : vector<16xf32>
    %jit3A_345 = arith.constant 2147483647 : i32
    %broadcast_in_dim3A_346 = vector.broadcast %jit3A_345 : i32 to vector<16xi32>
    %select_n3A_347 = arith.select %eq3A_344, %scan3A_58#9, %broadcast_in_dim3A_346 : vector<16xi1>, vector<16xi32>
    %min3A_348 = arith.minsi %min3A_342, %select_n3A_347 : vector<16xi32>
    %reduce_min3A_349 = arith.constant true
    %reduce_min3A_350 = vector.broadcast %reduce_min3A_349 : i1 to vector<16xi1>
    %reduce_min3A_351 = arith.constant -2147483648 : i32
    %reduce_min3A_352 = vector.broadcast %reduce_min3A_351 : i32 to vector<16xi32>
    %reduce_min3A_353 = arith.xori %min3A_348, %reduce_min3A_352 : vector<16xi32>
    %reduce_min3A_354 = tpu.scan <min>, %reduce_min3A_353 masked %reduce_min3A_350 : vector<16xi32>, vector<16xi1> -> vector<16xi32>
    %reduce_min3A_355 = arith.xori %reduce_min3A_354, %reduce_min3A_352 : vector<16xi32>
    %reduce_min3A_356 = vector.extract %reduce_min3A_355[15] : i32 from vector<16xi32>
    %eq3A_357 = vector.broadcast %reduce_min3A_356 : i32 to vector<16xi32>
    %eq3A_358 = arith.cmpi eq, %scan3A_58#5, %eq3A_357 : vector<16xi32>
    %jit3A_359 = arith.constant -3.000000e+38 : f32
    %broadcast_in_dim3A_360 = vector.broadcast %jit3A_359 : f32 to vector<16xf32>
    %select_n3A_361 = arith.select %eq3A_358, %broadcast_in_dim3A_360, %select_n3A_278 : vector<16xi1>, vector<16xf32>
    %eq3A_362 = vector.broadcast %reduce_min3A_356 : i32 to vector<16xi32>
    %eq3A_363 = arith.cmpi eq, %scan3A_58#6, %eq3A_362 : vector<16xi32>
    %jit3A_364 = arith.constant -3.000000e+38 : f32
    %broadcast_in_dim3A_365 = vector.broadcast %jit3A_364 : f32 to vector<16xf32>
    %select_n3A_366 = arith.select %eq3A_363, %broadcast_in_dim3A_365, %select_n3A_283 : vector<16xi1>, vector<16xf32>
    %eq3A_367 = vector.broadcast %reduce_min3A_356 : i32 to vector<16xi32>
    %eq3A_368 = arith.cmpi eq, %scan3A_58#7, %eq3A_367 : vector<16xi32>
    %jit3A_369 = arith.constant -3.000000e+38 : f32
    %broadcast_in_dim3A_370 = vector.broadcast %jit3A_369 : f32 to vector<16xf32>
    %select_n3A_371 = arith.select %eq3A_368, %broadcast_in_dim3A_370, %select_n3A_288 : vector<16xi1>, vector<16xf32>
    %eq3A_372 = vector.broadcast %reduce_min3A_356 : i32 to vector<16xi32>
    %eq3A_373 = arith.cmpi eq, %scan3A_58#8, %eq3A_372 : vector<16xi32>
    %jit3A_374 = arith.constant -3.000000e+38 : f32
    %broadcast_in_dim3A_375 = vector.broadcast %jit3A_374 : f32 to vector<16xf32>
    %select_n3A_376 = arith.select %eq3A_373, %broadcast_in_dim3A_375, %select_n3A_293 : vector<16xi1>, vector<16xf32>
    %eq3A_377 = vector.broadcast %reduce_min3A_356 : i32 to vector<16xi32>
    %eq3A_378 = arith.cmpi eq, %scan3A_58#9, %eq3A_377 : vector<16xi32>
    %jit3A_379 = arith.constant -3.000000e+38 : f32
    %broadcast_in_dim3A_380 = vector.broadcast %jit3A_379 : f32 to vector<16xf32>
    %select_n3A_381 = arith.select %eq3A_378, %broadcast_in_dim3A_380, %select_n3A_298 : vector<16xi1>, vector<16xf32>
    %eq3A_382 = arith.constant 3 : i32
    %eq3A_383 = vector.broadcast %eq3A_382 : i32 to vector<16xi32>
    %eq3A_384 = arith.cmpi eq, %iota3A, %eq3A_383 : vector<16xi32>
    %broadcast_in_dim3A_385 = vector.broadcast %reduce_max3A_316 : f32 to vector<16xf32>
    %select_n3A_386 = arith.select %eq3A_384, %broadcast_in_dim3A_385, %select_n3A_303 : vector<16xi1>, vector<16xf32>
    %eq3A_387 = arith.constant 3 : i32
    %eq3A_388 = vector.broadcast %eq3A_387 : i32 to vector<16xi32>
    %eq3A_389 = arith.cmpi eq, %iota3A, %eq3A_388 : vector<16xi32>
    %broadcast_in_dim3A_390 = vector.broadcast %reduce_min3A_356 : i32 to vector<16xi32>
    %select_n3A_391 = arith.select %eq3A_389, %broadcast_in_dim3A_390, %select_n3A_308 : vector<16xi1>, vector<16xi32>
    %max3A_392 = arith.maximumf %select_n3A_361, %select_n3A_366 : vector<16xf32>
    %max3A_393 = arith.maximumf %max3A_392, %select_n3A_371 : vector<16xf32>
    %max3A_394 = arith.maximumf %max3A_393, %select_n3A_376 : vector<16xf32>
    %max3A_395 = arith.maximumf %max3A_394, %select_n3A_381 : vector<16xf32>
    %reduce_max3A_396 = arith.constant true
    %reduce_max3A_397 = vector.broadcast %reduce_max3A_396 : i1 to vector<16xi1>
    %reduce_max3A_398 = tpu.scan <max>, %max3A_395 masked %reduce_max3A_397 : vector<16xf32>, vector<16xi1> -> vector<16xf32>
    %reduce_max3A_399 = vector.extract %reduce_max3A_398[15] : f32 from vector<16xf32>
    %broadcast_in_dim3A_400 = arith.constant 2147483647 : i32
    %broadcast_in_dim3A_401 = vector.broadcast %broadcast_in_dim3A_400 : i32 to vector<16xi32>
    %eq3A_402 = vector.broadcast %reduce_max3A_399 : f32 to vector<16xf32>
    %eq3A_403 = arith.cmpf oeq, %select_n3A_361, %eq3A_402 : vector<16xf32>
    %jit3A_404 = arith.constant 2147483647 : i32
    %broadcast_in_dim3A_405 = vector.broadcast %jit3A_404 : i32 to vector<16xi32>
    %select_n3A_406 = arith.select %eq3A_403, %scan3A_58#5, %broadcast_in_dim3A_405 : vector<16xi1>, vector<16xi32>
    %min3A_407 = arith.minsi %broadcast_in_dim3A_401, %select_n3A_406 : vector<16xi32>
    %eq3A_408 = vector.broadcast %reduce_max3A_399 : f32 to vector<16xf32>
    %eq3A_409 = arith.cmpf oeq, %select_n3A_366, %eq3A_408 : vector<16xf32>
    %jit3A_410 = arith.constant 2147483647 : i32
    %broadcast_in_dim3A_411 = vector.broadcast %jit3A_410 : i32 to vector<16xi32>
    %select_n3A_412 = arith.select %eq3A_409, %scan3A_58#6, %broadcast_in_dim3A_411 : vector<16xi1>, vector<16xi32>
    %min3A_413 = arith.minsi %min3A_407, %select_n3A_412 : vector<16xi32>
    %eq3A_414 = vector.broadcast %reduce_max3A_399 : f32 to vector<16xf32>
    %eq3A_415 = arith.cmpf oeq, %select_n3A_371, %eq3A_414 : vector<16xf32>
    %jit3A_416 = arith.constant 2147483647 : i32
    %broadcast_in_dim3A_417 = vector.broadcast %jit3A_416 : i32 to vector<16xi32>
    %select_n3A_418 = arith.select %eq3A_415, %scan3A_58#7, %broadcast_in_dim3A_417 : vector<16xi1>, vector<16xi32>
    %min3A_419 = arith.minsi %min3A_413, %select_n3A_418 : vector<16xi32>
    %eq3A_420 = vector.broadcast %reduce_max3A_399 : f32 to vector<16xf32>
    %eq3A_421 = arith.cmpf oeq, %select_n3A_376, %eq3A_420 : vector<16xf32>
    %jit3A_422 = arith.constant 2147483647 : i32
    %broadcast_in_dim3A_423 = vector.broadcast %jit3A_422 : i32 to vector<16xi32>
    %select_n3A_424 = arith.select %eq3A_421, %scan3A_58#8, %broadcast_in_dim3A_423 : vector<16xi1>, vector<16xi32>
    %min3A_425 = arith.minsi %min3A_419, %select_n3A_424 : vector<16xi32>
    %eq3A_426 = vector.broadcast %reduce_max3A_399 : f32 to vector<16xf32>
    %eq3A_427 = arith.cmpf oeq, %select_n3A_381, %eq3A_426 : vector<16xf32>
    %jit3A_428 = arith.constant 2147483647 : i32
    %broadcast_in_dim3A_429 = vector.broadcast %jit3A_428 : i32 to vector<16xi32>
    %select_n3A_430 = arith.select %eq3A_427, %scan3A_58#9, %broadcast_in_dim3A_429 : vector<16xi1>, vector<16xi32>
    %min3A_431 = arith.minsi %min3A_425, %select_n3A_430 : vector<16xi32>
    %reduce_min3A_432 = arith.constant true
    %reduce_min3A_433 = vector.broadcast %reduce_min3A_432 : i1 to vector<16xi1>
    %reduce_min3A_434 = arith.constant -2147483648 : i32
    %reduce_min3A_435 = vector.broadcast %reduce_min3A_434 : i32 to vector<16xi32>
    %reduce_min3A_436 = arith.xori %min3A_431, %reduce_min3A_435 : vector<16xi32>
    %reduce_min3A_437 = tpu.scan <min>, %reduce_min3A_436 masked %reduce_min3A_433 : vector<16xi32>, vector<16xi1> -> vector<16xi32>
    %reduce_min3A_438 = arith.xori %reduce_min3A_437, %reduce_min3A_435 : vector<16xi32>
    %reduce_min3A_439 = vector.extract %reduce_min3A_438[15] : i32 from vector<16xi32>
    %eq3A_440 = vector.broadcast %reduce_min3A_439 : i32 to vector<16xi32>
    %eq3A_441 = arith.cmpi eq, %scan3A_58#5, %eq3A_440 : vector<16xi32>
    %jit3A_442 = arith.constant -3.000000e+38 : f32
    %broadcast_in_dim3A_443 = vector.broadcast %jit3A_442 : f32 to vector<16xf32>
    %select_n3A_444 = arith.select %eq3A_441, %broadcast_in_dim3A_443, %select_n3A_361 : vector<16xi1>, vector<16xf32>
    %eq3A_445 = vector.broadcast %reduce_min3A_439 : i32 to vector<16xi32>
    %eq3A_446 = arith.cmpi eq, %scan3A_58#6, %eq3A_445 : vector<16xi32>
    %jit3A_447 = arith.constant -3.000000e+38 : f32
    %broadcast_in_dim3A_448 = vector.broadcast %jit3A_447 : f32 to vector<16xf32>
    %select_n3A_449 = arith.select %eq3A_446, %broadcast_in_dim3A_448, %select_n3A_366 : vector<16xi1>, vector<16xf32>
    %eq3A_450 = vector.broadcast %reduce_min3A_439 : i32 to vector<16xi32>
    %eq3A_451 = arith.cmpi eq, %scan3A_58#7, %eq3A_450 : vector<16xi32>
    %jit3A_452 = arith.constant -3.000000e+38 : f32
    %broadcast_in_dim3A_453 = vector.broadcast %jit3A_452 : f32 to vector<16xf32>
    %select_n3A_454 = arith.select %eq3A_451, %broadcast_in_dim3A_453, %select_n3A_371 : vector<16xi1>, vector<16xf32>
    %eq3A_455 = vector.broadcast %reduce_min3A_439 : i32 to vector<16xi32>
    %eq3A_456 = arith.cmpi eq, %scan3A_58#8, %eq3A_455 : vector<16xi32>
    %jit3A_457 = arith.constant -3.000000e+38 : f32
    %broadcast_in_dim3A_458 = vector.broadcast %jit3A_457 : f32 to vector<16xf32>
    %select_n3A_459 = arith.select %eq3A_456, %broadcast_in_dim3A_458, %select_n3A_376 : vector<16xi1>, vector<16xf32>
    %eq3A_460 = vector.broadcast %reduce_min3A_439 : i32 to vector<16xi32>
    %eq3A_461 = arith.cmpi eq, %scan3A_58#9, %eq3A_460 : vector<16xi32>
    %jit3A_462 = arith.constant -3.000000e+38 : f32
    %broadcast_in_dim3A_463 = vector.broadcast %jit3A_462 : f32 to vector<16xf32>
    %select_n3A_464 = arith.select %eq3A_461, %broadcast_in_dim3A_463, %select_n3A_381 : vector<16xi1>, vector<16xf32>
    %eq3A_465 = arith.constant 4 : i32
    %eq3A_466 = vector.broadcast %eq3A_465 : i32 to vector<16xi32>
    %eq3A_467 = arith.cmpi eq, %iota3A, %eq3A_466 : vector<16xi32>
    %broadcast_in_dim3A_468 = vector.broadcast %reduce_max3A_399 : f32 to vector<16xf32>
    %select_n3A_469 = arith.select %eq3A_467, %broadcast_in_dim3A_468, %select_n3A_386 : vector<16xi1>, vector<16xf32>
    %eq3A_470 = arith.constant 4 : i32
    %eq3A_471 = vector.broadcast %eq3A_470 : i32 to vector<16xi32>
    %eq3A_472 = arith.cmpi eq, %iota3A, %eq3A_471 : vector<16xi32>
    %broadcast_in_dim3A_473 = vector.broadcast %reduce_min3A_439 : i32 to vector<16xi32>
    %select_n3A_474 = arith.select %eq3A_472, %broadcast_in_dim3A_473, %select_n3A_391 : vector<16xi1>, vector<16xi32>
    %swap3A = arith.constant 0 : index
    %swap3A_475 = tpu.vector_load %arg6[%swap3A] {strides = array<i32>} : memref<16xf32, #tpu.memory_space<vmem>>, vector<16xf32>,
    tpu.vector_store %arg6[%swap3A], %select_n3A_469 {strides = array<i32>} : memref<16xf32, #tpu.memory_space<vmem>>, vector<16xf32>,
    %swap3A_476 = arith.constant 0 : index
    %swap3A_477 = tpu.vector_load %arg7[%swap3A_476] {strides = array<i32>} : memref<16xi32, #tpu.memory_space<vmem>>, vector<16xi32>,
    tpu.vector_store %arg7[%swap3A_476], %select_n3A_474 {strides = array<i32>} : memref<16xi32, #tpu.memory_space<vmem>>, vector<16xi32>,
    %mul3A_478 = arith.constant 16 : i32
    %mul3A_479 = arith.muli %arg1, %mul3A_478 : i32
    "tpu.region"() ({
      %run_scoped3A = tpu.sem_alloc : memref<!tpu.dma_semaphore, #tpu.memory_space<semaphore_mem>>
      %dma_start3A = tpu.memref_slice %arg10[%mul3A_479] : memref<256xf32, #tpu.memory_space<vmem_shared>> -> memref<16xf32, #tpu.memory_space<vmem_shared>>
      %dma_start3A_485 = tpu.memref_slice %arg10[%mul3A_479] : memref<256xf32, #tpu.memory_space<vmem_shared>> -> memref<16xf32, #tpu.memory_space<vmem_shared>>
      tpu.enqueue_dma source(%arg6 : memref<16xf32, #tpu.memory_space<vmem>>) target(%dma_start3A_485 : memref<16xf32, #tpu.memory_space<vmem_shared>>) target_semaphore(%run_scoped3A : memref<!tpu.dma_semaphore, #tpu.memory_space<semaphore_mem>>)
      %dma_wait3A = tpu.memref_slice %arg10[%mul3A_479] : memref<256xf32, #tpu.memory_space<vmem_shared>> -> memref<16xf32, #tpu.memory_space<vmem_shared>>
      %dma_wait3A_486 = tpu.memref_slice %arg10[%mul3A_479] : memref<256xf32, #tpu.memory_space<vmem_shared>> -> memref<16xf32, #tpu.memory_space<vmem_shared>>
      tpu.wait_dma2 semaphore(%run_scoped3A : memref<!tpu.dma_semaphore, #tpu.memory_space<semaphore_mem>>) src(%arg6 : memref<16xf32, #tpu.memory_space<vmem>>) dst(%dma_wait3A_486 : memref<16xf32, #tpu.memory_space<vmem_shared>>)
      tpu.yield
    }) : () -> ()
    %mul3A_480 = arith.constant 16 : i32
    %mul3A_481 = arith.muli %arg1, %mul3A_480 : i32
    "tpu.region"() ({
      %run_scoped3A = tpu.sem_alloc : memref<!tpu.dma_semaphore, #tpu.memory_space<semaphore_mem>>
      %dma_start3A = tpu.memref_slice %arg11[%mul3A_481] : memref<256xi32, #tpu.memory_space<vmem_shared>> -> memref<16xi32, #tpu.memory_space<vmem_shared>>
      %dma_start3A_485 = tpu.memref_slice %arg11[%mul3A_481] : memref<256xi32, #tpu.memory_space<vmem_shared>> -> memref<16xi32, #tpu.memory_space<vmem_shared>>
      tpu.enqueue_dma source(%arg7 : memref<16xi32, #tpu.memory_space<vmem>>) target(%dma_start3A_485 : memref<16xi32, #tpu.memory_space<vmem_shared>>) target_semaphore(%run_scoped3A : memref<!tpu.dma_semaphore, #tpu.memory_space<semaphore_mem>>)
      %dma_wait3A = tpu.memref_slice %arg11[%mul3A_481] : memref<256xi32, #tpu.memory_space<vmem_shared>> -> memref<16xi32, #tpu.memory_space<vmem_shared>>
      %dma_wait3A_486 = tpu.memref_slice %arg11[%mul3A_481] : memref<256xi32, #tpu.memory_space<vmem_shared>> -> memref<16xi32, #tpu.memory_space<vmem_shared>>
      tpu.wait_dma2 semaphore(%run_scoped3A : memref<!tpu.dma_semaphore, #tpu.memory_space<semaphore_mem>>) src(%arg7 : memref<16xi32, #tpu.memory_space<vmem>>) dst(%dma_wait3A_486 : memref<16xi32, #tpu.memory_space<vmem_shared>>)
      tpu.yield
    }) : () -> ()
    %barrier3A = arith.constant 0 : index
    tpu.barrier barrier_id(%barrier3A)
    %eq3A_482 = arith.constant 0 : i32
    %eq3A_483 = arith.cmpi eq, %select_n3A_30, %eq3A_482 : i32
    %convert_element_type3A = arith.extui %eq3A_483 : i1 to i32
    %cond3A = arith.constant 0 : i32
    %cond3A_484 = arith.cmpi ne, %convert_element_type3A, %cond3A : i32
    scf.if %cond3A_484 {
      %mul3A_485 = arith.constant 16 : i32
      %mul3A_486 = arith.muli %arg1, %mul3A_485 : i32
      "tpu.region"() ({
        %run_scoped3A = tpu.sem_alloc : memref<!tpu.dma_semaphore, #tpu.memory_space<semaphore_mem>>
        %dma_start3A = tpu.memref_slice %arg10[%mul3A_486] : memref<256xf32, #tpu.memory_space<vmem_shared>> -> memref<64xf32, #tpu.memory_space<vmem_shared>>
        %dma_start3A_867 = tpu.memref_slice %arg10[%mul3A_486] : memref<256xf32, #tpu.memory_space<vmem_shared>> -> memref<64xf32, #tpu.memory_space<vmem_shared>>
        tpu.enqueue_dma source(%dma_start3A_867 : memref<64xf32, #tpu.memory_space<vmem_shared>>) target(%arg8 : memref<64xf32, #tpu.memory_space<vmem>>) target_semaphore(%run_scoped3A : memref<!tpu.dma_semaphore, #tpu.memory_space<semaphore_mem>>)
        %dma_wait3A = tpu.memref_slice %arg10[%mul3A_486] : memref<256xf32, #tpu.memory_space<vmem_shared>> -> memref<64xf32, #tpu.memory_space<vmem_shared>>
        %dma_wait3A_868 = tpu.memref_slice %arg10[%mul3A_486] : memref<256xf32, #tpu.memory_space<vmem_shared>> -> memref<64xf32, #tpu.memory_space<vmem_shared>>
        tpu.wait_dma2 semaphore(%run_scoped3A : memref<!tpu.dma_semaphore, #tpu.memory_space<semaphore_mem>>) src(%dma_wait3A_868 : memref<64xf32, #tpu.memory_space<vmem_shared>>) dst(%arg8 : memref<64xf32, #tpu.memory_space<vmem>>)
        tpu.yield
      }) : () -> ()
      %mul3A_487 = arith.constant 16 : i32
      %mul3A_488 = arith.muli %arg1, %mul3A_487 : i32
      "tpu.region"() ({
        %run_scoped3A = tpu.sem_alloc : memref<!tpu.dma_semaphore, #tpu.memory_space<semaphore_mem>>
        %dma_start3A = tpu.memref_slice %arg11[%mul3A_488] : memref<256xi32, #tpu.memory_space<vmem_shared>> -> memref<64xi32, #tpu.memory_space<vmem_shared>>
        %dma_start3A_867 = tpu.memref_slice %arg11[%mul3A_488] : memref<256xi32, #tpu.memory_space<vmem_shared>> -> memref<64xi32, #tpu.memory_space<vmem_shared>>
        tpu.enqueue_dma source(%dma_start3A_867 : memref<64xi32, #tpu.memory_space<vmem_shared>>) target(%arg9 : memref<64xi32, #tpu.memory_space<vmem>>) target_semaphore(%run_scoped3A : memref<!tpu.dma_semaphore, #tpu.memory_space<semaphore_mem>>)
        %dma_wait3A = tpu.memref_slice %arg11[%mul3A_488] : memref<256xi32, #tpu.memory_space<vmem_shared>> -> memref<64xi32, #tpu.memory_space<vmem_shared>>
        %dma_wait3A_868 = tpu.memref_slice %arg11[%mul3A_488] : memref<256xi32, #tpu.memory_space<vmem_shared>> -> memref<64xi32, #tpu.memory_space<vmem_shared>>
        tpu.wait_dma2 semaphore(%run_scoped3A : memref<!tpu.dma_semaphore, #tpu.memory_space<semaphore_mem>>) src(%dma_wait3A_868 : memref<64xi32, #tpu.memory_space<vmem_shared>>) dst(%arg9 : memref<64xi32, #tpu.memory_space<vmem>>)
        tpu.yield
      }) : () -> ()
      %get3A = arith.constant 0 : index
      %get3A_489 = tpu.vector_load %arg8[%get3A] {strides = array<i32>} : memref<64xf32, #tpu.memory_space<vmem>>, vector<16xf32>,
      %get3A_490 = arith.constant 16 : index
      %get3A_491 = tpu.vector_load %arg8[%get3A_490] {strides = array<i32>} : memref<64xf32, #tpu.memory_space<vmem>>, vector<16xf32>,
      %get3A_492 = arith.constant 32 : index
      %get3A_493 = tpu.vector_load %arg8[%get3A_492] {strides = array<i32>} : memref<64xf32, #tpu.memory_space<vmem>>, vector<16xf32>,
      %get3A_494 = arith.constant 48 : index
      %get3A_495 = tpu.vector_load %arg8[%get3A_494] {strides = array<i32>} : memref<64xf32, #tpu.memory_space<vmem>>, vector<16xf32>,
      %get3A_496 = arith.constant 0 : index
      %get3A_497 = tpu.vector_load %arg9[%get3A_496] {strides = array<i32>} : memref<64xi32, #tpu.memory_space<vmem>>, vector<16xi32>,
      %get3A_498 = arith.constant 16 : index
      %get3A_499 = tpu.vector_load %arg9[%get3A_498] {strides = array<i32>} : memref<64xi32, #tpu.memory_space<vmem>>, vector<16xi32>,
      %get3A_500 = arith.constant 32 : index
      %get3A_501 = tpu.vector_load %arg9[%get3A_500] {strides = array<i32>} : memref<64xi32, #tpu.memory_space<vmem>>, vector<16xi32>,
      %get3A_502 = arith.constant 48 : index
      %get3A_503 = tpu.vector_load %arg9[%get3A_502] {strides = array<i32>} : memref<64xi32, #tpu.memory_space<vmem>>, vector<16xi32>,
      %broadcast_in_dim3A_504 = arith.constant -3.000000e+38 : f32
      %broadcast_in_dim3A_505 = vector.broadcast %broadcast_in_dim3A_504 : f32 to vector<16xf32>
      %broadcast_in_dim3A_506 = arith.constant 0 : i32
      %broadcast_in_dim3A_507 = vector.broadcast %broadcast_in_dim3A_506 : i32 to vector<16xi32>
      %max3A_508 = arith.maximumf %get3A_489, %get3A_491 : vector<16xf32>
      %max3A_509 = arith.maximumf %max3A_508, %get3A_493 : vector<16xf32>
      %max3A_510 = arith.maximumf %max3A_509, %get3A_495 : vector<16xf32>
      %reduce_max3A_511 = arith.constant true
      %reduce_max3A_512 = vector.broadcast %reduce_max3A_511 : i1 to vector<16xi1>
      %reduce_max3A_513 = tpu.scan <max>, %max3A_510 masked %reduce_max3A_512 : vector<16xf32>, vector<16xi1> -> vector<16xf32>
      %reduce_max3A_514 = vector.extract %reduce_max3A_513[15] : f32 from vector<16xf32>
      %broadcast_in_dim3A_515 = arith.constant 2147483647 : i32
      %broadcast_in_dim3A_516 = vector.broadcast %broadcast_in_dim3A_515 : i32 to vector<16xi32>
      %eq3A_517 = vector.broadcast %reduce_max3A_514 : f32 to vector<16xf32>
      %eq3A_518 = arith.cmpf oeq, %get3A_489, %eq3A_517 : vector<16xf32>
      %jit3A_519 = arith.constant 2147483647 : i32
      %broadcast_in_dim3A_520 = vector.broadcast %jit3A_519 : i32 to vector<16xi32>
      %select_n3A_521 = arith.select %eq3A_518, %get3A_497, %broadcast_in_dim3A_520 : vector<16xi1>, vector<16xi32>
      %min3A_522 = arith.minsi %broadcast_in_dim3A_516, %select_n3A_521 : vector<16xi32>
      %eq3A_523 = vector.broadcast %reduce_max3A_514 : f32 to vector<16xf32>
      %eq3A_524 = arith.cmpf oeq, %get3A_491, %eq3A_523 : vector<16xf32>
      %jit3A_525 = arith.constant 2147483647 : i32
      %broadcast_in_dim3A_526 = vector.broadcast %jit3A_525 : i32 to vector<16xi32>
      %select_n3A_527 = arith.select %eq3A_524, %get3A_499, %broadcast_in_dim3A_526 : vector<16xi1>, vector<16xi32>
      %min3A_528 = arith.minsi %min3A_522, %select_n3A_527 : vector<16xi32>
      %eq3A_529 = vector.broadcast %reduce_max3A_514 : f32 to vector<16xf32>
      %eq3A_530 = arith.cmpf oeq, %get3A_493, %eq3A_529 : vector<16xf32>
      %jit3A_531 = arith.constant 2147483647 : i32
      %broadcast_in_dim3A_532 = vector.broadcast %jit3A_531 : i32 to vector<16xi32>
      %select_n3A_533 = arith.select %eq3A_530, %get3A_501, %broadcast_in_dim3A_532 : vector<16xi1>, vector<16xi32>
      %min3A_534 = arith.minsi %min3A_528, %select_n3A_533 : vector<16xi32>
      %eq3A_535 = vector.broadcast %reduce_max3A_514 : f32 to vector<16xf32>
      %eq3A_536 = arith.cmpf oeq, %get3A_495, %eq3A_535 : vector<16xf32>
      %jit3A_537 = arith.constant 2147483647 : i32
      %broadcast_in_dim3A_538 = vector.broadcast %jit3A_537 : i32 to vector<16xi32>
      %select_n3A_539 = arith.select %eq3A_536, %get3A_503, %broadcast_in_dim3A_538 : vector<16xi1>, vector<16xi32>
      %min3A_540 = arith.minsi %min3A_534, %select_n3A_539 : vector<16xi32>
      %reduce_min3A_541 = arith.constant true
      %reduce_min3A_542 = vector.broadcast %reduce_min3A_541 : i1 to vector<16xi1>
      %reduce_min3A_543 = arith.constant -2147483648 : i32
      %reduce_min3A_544 = vector.broadcast %reduce_min3A_543 : i32 to vector<16xi32>
      %reduce_min3A_545 = arith.xori %min3A_540, %reduce_min3A_544 : vector<16xi32>
      %reduce_min3A_546 = tpu.scan <min>, %reduce_min3A_545 masked %reduce_min3A_542 : vector<16xi32>, vector<16xi1> -> vector<16xi32>
      %reduce_min3A_547 = arith.xori %reduce_min3A_546, %reduce_min3A_544 : vector<16xi32>
      %reduce_min3A_548 = vector.extract %reduce_min3A_547[15] : i32 from vector<16xi32>
      %eq3A_549 = vector.broadcast %reduce_min3A_548 : i32 to vector<16xi32>
      %eq3A_550 = arith.cmpi eq, %get3A_497, %eq3A_549 : vector<16xi32>
      %jit3A_551 = arith.constant -3.000000e+38 : f32
      %broadcast_in_dim3A_552 = vector.broadcast %jit3A_551 : f32 to vector<16xf32>
      %select_n3A_553 = arith.select %eq3A_550, %broadcast_in_dim3A_552, %get3A_489 : vector<16xi1>, vector<16xf32>
      %eq3A_554 = vector.broadcast %reduce_min3A_548 : i32 to vector<16xi32>
      %eq3A_555 = arith.cmpi eq, %get3A_499, %eq3A_554 : vector<16xi32>
      %jit3A_556 = arith.constant -3.000000e+38 : f32
      %broadcast_in_dim3A_557 = vector.broadcast %jit3A_556 : f32 to vector<16xf32>
      %select_n3A_558 = arith.select %eq3A_555, %broadcast_in_dim3A_557, %get3A_491 : vector<16xi1>, vector<16xf32>
      %eq3A_559 = vector.broadcast %reduce_min3A_548 : i32 to vector<16xi32>
      %eq3A_560 = arith.cmpi eq, %get3A_501, %eq3A_559 : vector<16xi32>
      %jit3A_561 = arith.constant -3.000000e+38 : f32
      %broadcast_in_dim3A_562 = vector.broadcast %jit3A_561 : f32 to vector<16xf32>
      %select_n3A_563 = arith.select %eq3A_560, %broadcast_in_dim3A_562, %get3A_493 : vector<16xi1>, vector<16xf32>
      %eq3A_564 = vector.broadcast %reduce_min3A_548 : i32 to vector<16xi32>
      %eq3A_565 = arith.cmpi eq, %get3A_503, %eq3A_564 : vector<16xi32>
      %jit3A_566 = arith.constant -3.000000e+38 : f32
      %broadcast_in_dim3A_567 = vector.broadcast %jit3A_566 : f32 to vector<16xf32>
      %select_n3A_568 = arith.select %eq3A_565, %broadcast_in_dim3A_567, %get3A_495 : vector<16xi1>, vector<16xf32>
      %eq3A_569 = arith.constant 0 : i32
      %eq3A_570 = vector.broadcast %eq3A_569 : i32 to vector<16xi32>
      %eq3A_571 = arith.cmpi eq, %iota3A, %eq3A_570 : vector<16xi32>
      %broadcast_in_dim3A_572 = vector.broadcast %reduce_max3A_514 : f32 to vector<16xf32>
      %select_n3A_573 = arith.select %eq3A_571, %broadcast_in_dim3A_572, %broadcast_in_dim3A_505 : vector<16xi1>, vector<16xf32>
      %eq3A_574 = arith.constant 0 : i32
      %eq3A_575 = vector.broadcast %eq3A_574 : i32 to vector<16xi32>
      %eq3A_576 = arith.cmpi eq, %iota3A, %eq3A_575 : vector<16xi32>
      %broadcast_in_dim3A_577 = vector.broadcast %reduce_min3A_548 : i32 to vector<16xi32>
      %select_n3A_578 = arith.select %eq3A_576, %broadcast_in_dim3A_577, %broadcast_in_dim3A_507 : vector<16xi1>, vector<16xi32>
      %max3A_579 = arith.maximumf %select_n3A_553, %select_n3A_558 : vector<16xf32>
      %max3A_580 = arith.maximumf %max3A_579, %select_n3A_563 : vector<16xf32>
      %max3A_581 = arith.maximumf %max3A_580, %select_n3A_568 : vector<16xf32>
      %reduce_max3A_582 = arith.constant true
      %reduce_max3A_583 = vector.broadcast %reduce_max3A_582 : i1 to vector<16xi1>
      %reduce_max3A_584 = tpu.scan <max>, %max3A_581 masked %reduce_max3A_583 : vector<16xf32>, vector<16xi1> -> vector<16xf32>
      %reduce_max3A_585 = vector.extract %reduce_max3A_584[15] : f32 from vector<16xf32>
      %broadcast_in_dim3A_586 = arith.constant 2147483647 : i32
      %broadcast_in_dim3A_587 = vector.broadcast %broadcast_in_dim3A_586 : i32 to vector<16xi32>
      %eq3A_588 = vector.broadcast %reduce_max3A_585 : f32 to vector<16xf32>
      %eq3A_589 = arith.cmpf oeq, %select_n3A_553, %eq3A_588 : vector<16xf32>
      %jit3A_590 = arith.constant 2147483647 : i32
      %broadcast_in_dim3A_591 = vector.broadcast %jit3A_590 : i32 to vector<16xi32>
      %select_n3A_592 = arith.select %eq3A_589, %get3A_497, %broadcast_in_dim3A_591 : vector<16xi1>, vector<16xi32>
      %min3A_593 = arith.minsi %broadcast_in_dim3A_587, %select_n3A_592 : vector<16xi32>
      %eq3A_594 = vector.broadcast %reduce_max3A_585 : f32 to vector<16xf32>
      %eq3A_595 = arith.cmpf oeq, %select_n3A_558, %eq3A_594 : vector<16xf32>
      %jit3A_596 = arith.constant 2147483647 : i32
      %broadcast_in_dim3A_597 = vector.broadcast %jit3A_596 : i32 to vector<16xi32>
      %select_n3A_598 = arith.select %eq3A_595, %get3A_499, %broadcast_in_dim3A_597 : vector<16xi1>, vector<16xi32>
      %min3A_599 = arith.minsi %min3A_593, %select_n3A_598 : vector<16xi32>
      %eq3A_600 = vector.broadcast %reduce_max3A_585 : f32 to vector<16xf32>
      %eq3A_601 = arith.cmpf oeq, %select_n3A_563, %eq3A_600 : vector<16xf32>
      %jit3A_602 = arith.constant 2147483647 : i32
      %broadcast_in_dim3A_603 = vector.broadcast %jit3A_602 : i32 to vector<16xi32>
      %select_n3A_604 = arith.select %eq3A_601, %get3A_501, %broadcast_in_dim3A_603 : vector<16xi1>, vector<16xi32>
      %min3A_605 = arith.minsi %min3A_599, %select_n3A_604 : vector<16xi32>
      %eq3A_606 = vector.broadcast %reduce_max3A_585 : f32 to vector<16xf32>
      %eq3A_607 = arith.cmpf oeq, %select_n3A_568, %eq3A_606 : vector<16xf32>
      %jit3A_608 = arith.constant 2147483647 : i32
      %broadcast_in_dim3A_609 = vector.broadcast %jit3A_608 : i32 to vector<16xi32>
      %select_n3A_610 = arith.select %eq3A_607, %get3A_503, %broadcast_in_dim3A_609 : vector<16xi1>, vector<16xi32>
      %min3A_611 = arith.minsi %min3A_605, %select_n3A_610 : vector<16xi32>
      %reduce_min3A_612 = arith.constant true
      %reduce_min3A_613 = vector.broadcast %reduce_min3A_612 : i1 to vector<16xi1>
      %reduce_min3A_614 = arith.constant -2147483648 : i32
      %reduce_min3A_615 = vector.broadcast %reduce_min3A_614 : i32 to vector<16xi32>
      %reduce_min3A_616 = arith.xori %min3A_611, %reduce_min3A_615 : vector<16xi32>
      %reduce_min3A_617 = tpu.scan <min>, %reduce_min3A_616 masked %reduce_min3A_613 : vector<16xi32>, vector<16xi1> -> vector<16xi32>
      %reduce_min3A_618 = arith.xori %reduce_min3A_617, %reduce_min3A_615 : vector<16xi32>
      %reduce_min3A_619 = vector.extract %reduce_min3A_618[15] : i32 from vector<16xi32>
      %eq3A_620 = vector.broadcast %reduce_min3A_619 : i32 to vector<16xi32>
      %eq3A_621 = arith.cmpi eq, %get3A_497, %eq3A_620 : vector<16xi32>
      %jit3A_622 = arith.constant -3.000000e+38 : f32
      %broadcast_in_dim3A_623 = vector.broadcast %jit3A_622 : f32 to vector<16xf32>
      %select_n3A_624 = arith.select %eq3A_621, %broadcast_in_dim3A_623, %select_n3A_553 : vector<16xi1>, vector<16xf32>
      %eq3A_625 = vector.broadcast %reduce_min3A_619 : i32 to vector<16xi32>
      %eq3A_626 = arith.cmpi eq, %get3A_499, %eq3A_625 : vector<16xi32>
      %jit3A_627 = arith.constant -3.000000e+38 : f32
      %broadcast_in_dim3A_628 = vector.broadcast %jit3A_627 : f32 to vector<16xf32>
      %select_n3A_629 = arith.select %eq3A_626, %broadcast_in_dim3A_628, %select_n3A_558 : vector<16xi1>, vector<16xf32>
      %eq3A_630 = vector.broadcast %reduce_min3A_619 : i32 to vector<16xi32>
      %eq3A_631 = arith.cmpi eq, %get3A_501, %eq3A_630 : vector<16xi32>
      %jit3A_632 = arith.constant -3.000000e+38 : f32
      %broadcast_in_dim3A_633 = vector.broadcast %jit3A_632 : f32 to vector<16xf32>
      %select_n3A_634 = arith.select %eq3A_631, %broadcast_in_dim3A_633, %select_n3A_563 : vector<16xi1>, vector<16xf32>
      %eq3A_635 = vector.broadcast %reduce_min3A_619 : i32 to vector<16xi32>
      %eq3A_636 = arith.cmpi eq, %get3A_503, %eq3A_635 : vector<16xi32>
      %jit3A_637 = arith.constant -3.000000e+38 : f32
      %broadcast_in_dim3A_638 = vector.broadcast %jit3A_637 : f32 to vector<16xf32>
      %select_n3A_639 = arith.select %eq3A_636, %broadcast_in_dim3A_638, %select_n3A_568 : vector<16xi1>, vector<16xf32>
      %eq3A_640 = arith.constant 1 : i32
      %eq3A_641 = vector.broadcast %eq3A_640 : i32 to vector<16xi32>
      %eq3A_642 = arith.cmpi eq, %iota3A, %eq3A_641 : vector<16xi32>
      %broadcast_in_dim3A_643 = vector.broadcast %reduce_max3A_585 : f32 to vector<16xf32>
      %select_n3A_644 = arith.select %eq3A_642, %broadcast_in_dim3A_643, %select_n3A_573 : vector<16xi1>, vector<16xf32>
      %eq3A_645 = arith.constant 1 : i32
      %eq3A_646 = vector.broadcast %eq3A_645 : i32 to vector<16xi32>
      %eq3A_647 = arith.cmpi eq, %iota3A, %eq3A_646 : vector<16xi32>
      %broadcast_in_dim3A_648 = vector.broadcast %reduce_min3A_619 : i32 to vector<16xi32>
      %select_n3A_649 = arith.select %eq3A_647, %broadcast_in_dim3A_648, %select_n3A_578 : vector<16xi1>, vector<16xi32>
      %max3A_650 = arith.maximumf %select_n3A_624, %select_n3A_629 : vector<16xf32>
      %max3A_651 = arith.maximumf %max3A_650, %select_n3A_634 : vector<16xf32>
      %max3A_652 = arith.maximumf %max3A_651, %select_n3A_639 : vector<16xf32>
      %reduce_max3A_653 = arith.constant true
      %reduce_max3A_654 = vector.broadcast %reduce_max3A_653 : i1 to vector<16xi1>
      %reduce_max3A_655 = tpu.scan <max>, %max3A_652 masked %reduce_max3A_654 : vector<16xf32>, vector<16xi1> -> vector<16xf32>
      %reduce_max3A_656 = vector.extract %reduce_max3A_655[15] : f32 from vector<16xf32>
      %broadcast_in_dim3A_657 = arith.constant 2147483647 : i32
      %broadcast_in_dim3A_658 = vector.broadcast %broadcast_in_dim3A_657 : i32 to vector<16xi32>
      %eq3A_659 = vector.broadcast %reduce_max3A_656 : f32 to vector<16xf32>
      %eq3A_660 = arith.cmpf oeq, %select_n3A_624, %eq3A_659 : vector<16xf32>
      %jit3A_661 = arith.constant 2147483647 : i32
      %broadcast_in_dim3A_662 = vector.broadcast %jit3A_661 : i32 to vector<16xi32>
      %select_n3A_663 = arith.select %eq3A_660, %get3A_497, %broadcast_in_dim3A_662 : vector<16xi1>, vector<16xi32>
      %min3A_664 = arith.minsi %broadcast_in_dim3A_658, %select_n3A_663 : vector<16xi32>
      %eq3A_665 = vector.broadcast %reduce_max3A_656 : f32 to vector<16xf32>
      %eq3A_666 = arith.cmpf oeq, %select_n3A_629, %eq3A_665 : vector<16xf32>
      %jit3A_667 = arith.constant 2147483647 : i32
      %broadcast_in_dim3A_668 = vector.broadcast %jit3A_667 : i32 to vector<16xi32>
      %select_n3A_669 = arith.select %eq3A_666, %get3A_499, %broadcast_in_dim3A_668 : vector<16xi1>, vector<16xi32>
      %min3A_670 = arith.minsi %min3A_664, %select_n3A_669 : vector<16xi32>
      %eq3A_671 = vector.broadcast %reduce_max3A_656 : f32 to vector<16xf32>
      %eq3A_672 = arith.cmpf oeq, %select_n3A_634, %eq3A_671 : vector<16xf32>
      %jit3A_673 = arith.constant 2147483647 : i32
      %broadcast_in_dim3A_674 = vector.broadcast %jit3A_673 : i32 to vector<16xi32>
      %select_n3A_675 = arith.select %eq3A_672, %get3A_501, %broadcast_in_dim3A_674 : vector<16xi1>, vector<16xi32>
      %min3A_676 = arith.minsi %min3A_670, %select_n3A_675 : vector<16xi32>
      %eq3A_677 = vector.broadcast %reduce_max3A_656 : f32 to vector<16xf32>
      %eq3A_678 = arith.cmpf oeq, %select_n3A_639, %eq3A_677 : vector<16xf32>
      %jit3A_679 = arith.constant 2147483647 : i32
      %broadcast_in_dim3A_680 = vector.broadcast %jit3A_679 : i32 to vector<16xi32>
      %select_n3A_681 = arith.select %eq3A_678, %get3A_503, %broadcast_in_dim3A_680 : vector<16xi1>, vector<16xi32>
      %min3A_682 = arith.minsi %min3A_676, %select_n3A_681 : vector<16xi32>
      %reduce_min3A_683 = arith.constant true
      %reduce_min3A_684 = vector.broadcast %reduce_min3A_683 : i1 to vector<16xi1>
      %reduce_min3A_685 = arith.constant -2147483648 : i32
      %reduce_min3A_686 = vector.broadcast %reduce_min3A_685 : i32 to vector<16xi32>
      %reduce_min3A_687 = arith.xori %min3A_682, %reduce_min3A_686 : vector<16xi32>
      %reduce_min3A_688 = tpu.scan <min>, %reduce_min3A_687 masked %reduce_min3A_684 : vector<16xi32>, vector<16xi1> -> vector<16xi32>
      %reduce_min3A_689 = arith.xori %reduce_min3A_688, %reduce_min3A_686 : vector<16xi32>
      %reduce_min3A_690 = vector.extract %reduce_min3A_689[15] : i32 from vector<16xi32>
      %eq3A_691 = vector.broadcast %reduce_min3A_690 : i32 to vector<16xi32>
      %eq3A_692 = arith.cmpi eq, %get3A_497, %eq3A_691 : vector<16xi32>
      %jit3A_693 = arith.constant -3.000000e+38 : f32
      %broadcast_in_dim3A_694 = vector.broadcast %jit3A_693 : f32 to vector<16xf32>
      %select_n3A_695 = arith.select %eq3A_692, %broadcast_in_dim3A_694, %select_n3A_624 : vector<16xi1>, vector<16xf32>
      %eq3A_696 = vector.broadcast %reduce_min3A_690 : i32 to vector<16xi32>
      %eq3A_697 = arith.cmpi eq, %get3A_499, %eq3A_696 : vector<16xi32>
      %jit3A_698 = arith.constant -3.000000e+38 : f32
      %broadcast_in_dim3A_699 = vector.broadcast %jit3A_698 : f32 to vector<16xf32>
      %select_n3A_700 = arith.select %eq3A_697, %broadcast_in_dim3A_699, %select_n3A_629 : vector<16xi1>, vector<16xf32>
      %eq3A_701 = vector.broadcast %reduce_min3A_690 : i32 to vector<16xi32>
      %eq3A_702 = arith.cmpi eq, %get3A_501, %eq3A_701 : vector<16xi32>
      %jit3A_703 = arith.constant -3.000000e+38 : f32
      %broadcast_in_dim3A_704 = vector.broadcast %jit3A_703 : f32 to vector<16xf32>
      %select_n3A_705 = arith.select %eq3A_702, %broadcast_in_dim3A_704, %select_n3A_634 : vector<16xi1>, vector<16xf32>
      %eq3A_706 = vector.broadcast %reduce_min3A_690 : i32 to vector<16xi32>
      %eq3A_707 = arith.cmpi eq, %get3A_503, %eq3A_706 : vector<16xi32>
      %jit3A_708 = arith.constant -3.000000e+38 : f32
      %broadcast_in_dim3A_709 = vector.broadcast %jit3A_708 : f32 to vector<16xf32>
      %select_n3A_710 = arith.select %eq3A_707, %broadcast_in_dim3A_709, %select_n3A_639 : vector<16xi1>, vector<16xf32>
      %eq3A_711 = arith.constant 2 : i32
      %eq3A_712 = vector.broadcast %eq3A_711 : i32 to vector<16xi32>
      %eq3A_713 = arith.cmpi eq, %iota3A, %eq3A_712 : vector<16xi32>
      %broadcast_in_dim3A_714 = vector.broadcast %reduce_max3A_656 : f32 to vector<16xf32>
      %select_n3A_715 = arith.select %eq3A_713, %broadcast_in_dim3A_714, %select_n3A_644 : vector<16xi1>, vector<16xf32>
      %eq3A_716 = arith.constant 2 : i32
      %eq3A_717 = vector.broadcast %eq3A_716 : i32 to vector<16xi32>
      %eq3A_718 = arith.cmpi eq, %iota3A, %eq3A_717 : vector<16xi32>
      %broadcast_in_dim3A_719 = vector.broadcast %reduce_min3A_690 : i32 to vector<16xi32>
      %select_n3A_720 = arith.select %eq3A_718, %broadcast_in_dim3A_719, %select_n3A_649 : vector<16xi1>, vector<16xi32>
      %max3A_721 = arith.maximumf %select_n3A_695, %select_n3A_700 : vector<16xf32>
      %max3A_722 = arith.maximumf %max3A_721, %select_n3A_705 : vector<16xf32>
      %max3A_723 = arith.maximumf %max3A_722, %select_n3A_710 : vector<16xf32>
      %reduce_max3A_724 = arith.constant true
      %reduce_max3A_725 = vector.broadcast %reduce_max3A_724 : i1 to vector<16xi1>
      %reduce_max3A_726 = tpu.scan <max>, %max3A_723 masked %reduce_max3A_725 : vector<16xf32>, vector<16xi1> -> vector<16xf32>
      %reduce_max3A_727 = vector.extract %reduce_max3A_726[15] : f32 from vector<16xf32>
      %broadcast_in_dim3A_728 = arith.constant 2147483647 : i32
      %broadcast_in_dim3A_729 = vector.broadcast %broadcast_in_dim3A_728 : i32 to vector<16xi32>
      %eq3A_730 = vector.broadcast %reduce_max3A_727 : f32 to vector<16xf32>
      %eq3A_731 = arith.cmpf oeq, %select_n3A_695, %eq3A_730 : vector<16xf32>
      %jit3A_732 = arith.constant 2147483647 : i32
      %broadcast_in_dim3A_733 = vector.broadcast %jit3A_732 : i32 to vector<16xi32>
      %select_n3A_734 = arith.select %eq3A_731, %get3A_497, %broadcast_in_dim3A_733 : vector<16xi1>, vector<16xi32>
      %min3A_735 = arith.minsi %broadcast_in_dim3A_729, %select_n3A_734 : vector<16xi32>
      %eq3A_736 = vector.broadcast %reduce_max3A_727 : f32 to vector<16xf32>
      %eq3A_737 = arith.cmpf oeq, %select_n3A_700, %eq3A_736 : vector<16xf32>
      %jit3A_738 = arith.constant 2147483647 : i32
      %broadcast_in_dim3A_739 = vector.broadcast %jit3A_738 : i32 to vector<16xi32>
      %select_n3A_740 = arith.select %eq3A_737, %get3A_499, %broadcast_in_dim3A_739 : vector<16xi1>, vector<16xi32>
      %min3A_741 = arith.minsi %min3A_735, %select_n3A_740 : vector<16xi32>
      %eq3A_742 = vector.broadcast %reduce_max3A_727 : f32 to vector<16xf32>
      %eq3A_743 = arith.cmpf oeq, %select_n3A_705, %eq3A_742 : vector<16xf32>
      %jit3A_744 = arith.constant 2147483647 : i32
      %broadcast_in_dim3A_745 = vector.broadcast %jit3A_744 : i32 to vector<16xi32>
      %select_n3A_746 = arith.select %eq3A_743, %get3A_501, %broadcast_in_dim3A_745 : vector<16xi1>, vector<16xi32>
      %min3A_747 = arith.minsi %min3A_741, %select_n3A_746 : vector<16xi32>
      %eq3A_748 = vector.broadcast %reduce_max3A_727 : f32 to vector<16xf32>
      %eq3A_749 = arith.cmpf oeq, %select_n3A_710, %eq3A_748 : vector<16xf32>
      %jit3A_750 = arith.constant 2147483647 : i32
      %broadcast_in_dim3A_751 = vector.broadcast %jit3A_750 : i32 to vector<16xi32>
      %select_n3A_752 = arith.select %eq3A_749, %get3A_503, %broadcast_in_dim3A_751 : vector<16xi1>, vector<16xi32>
      %min3A_753 = arith.minsi %min3A_747, %select_n3A_752 : vector<16xi32>
      %reduce_min3A_754 = arith.constant true
      %reduce_min3A_755 = vector.broadcast %reduce_min3A_754 : i1 to vector<16xi1>
      %reduce_min3A_756 = arith.constant -2147483648 : i32
      %reduce_min3A_757 = vector.broadcast %reduce_min3A_756 : i32 to vector<16xi32>
      %reduce_min3A_758 = arith.xori %min3A_753, %reduce_min3A_757 : vector<16xi32>
      %reduce_min3A_759 = tpu.scan <min>, %reduce_min3A_758 masked %reduce_min3A_755 : vector<16xi32>, vector<16xi1> -> vector<16xi32>
      %reduce_min3A_760 = arith.xori %reduce_min3A_759, %reduce_min3A_757 : vector<16xi32>
      %reduce_min3A_761 = vector.extract %reduce_min3A_760[15] : i32 from vector<16xi32>
      %eq3A_762 = vector.broadcast %reduce_min3A_761 : i32 to vector<16xi32>
      %eq3A_763 = arith.cmpi eq, %get3A_497, %eq3A_762 : vector<16xi32>
      %jit3A_764 = arith.constant -3.000000e+38 : f32
      %broadcast_in_dim3A_765 = vector.broadcast %jit3A_764 : f32 to vector<16xf32>
      %select_n3A_766 = arith.select %eq3A_763, %broadcast_in_dim3A_765, %select_n3A_695 : vector<16xi1>, vector<16xf32>
      %eq3A_767 = vector.broadcast %reduce_min3A_761 : i32 to vector<16xi32>
      %eq3A_768 = arith.cmpi eq, %get3A_499, %eq3A_767 : vector<16xi32>
      %jit3A_769 = arith.constant -3.000000e+38 : f32
      %broadcast_in_dim3A_770 = vector.broadcast %jit3A_769 : f32 to vector<16xf32>
      %select_n3A_771 = arith.select %eq3A_768, %broadcast_in_dim3A_770, %select_n3A_700 : vector<16xi1>, vector<16xf32>
      %eq3A_772 = vector.broadcast %reduce_min3A_761 : i32 to vector<16xi32>
      %eq3A_773 = arith.cmpi eq, %get3A_501, %eq3A_772 : vector<16xi32>
      %jit3A_774 = arith.constant -3.000000e+38 : f32
      %broadcast_in_dim3A_775 = vector.broadcast %jit3A_774 : f32 to vector<16xf32>
      %select_n3A_776 = arith.select %eq3A_773, %broadcast_in_dim3A_775, %select_n3A_705 : vector<16xi1>, vector<16xf32>
      %eq3A_777 = vector.broadcast %reduce_min3A_761 : i32 to vector<16xi32>
      %eq3A_778 = arith.cmpi eq, %get3A_503, %eq3A_777 : vector<16xi32>
      %jit3A_779 = arith.constant -3.000000e+38 : f32
      %broadcast_in_dim3A_780 = vector.broadcast %jit3A_779 : f32 to vector<16xf32>
      %select_n3A_781 = arith.select %eq3A_778, %broadcast_in_dim3A_780, %select_n3A_710 : vector<16xi1>, vector<16xf32>
      %eq3A_782 = arith.constant 3 : i32
      %eq3A_783 = vector.broadcast %eq3A_782 : i32 to vector<16xi32>
      %eq3A_784 = arith.cmpi eq, %iota3A, %eq3A_783 : vector<16xi32>
      %broadcast_in_dim3A_785 = vector.broadcast %reduce_max3A_727 : f32 to vector<16xf32>
      %select_n3A_786 = arith.select %eq3A_784, %broadcast_in_dim3A_785, %select_n3A_715 : vector<16xi1>, vector<16xf32>
      %eq3A_787 = arith.constant 3 : i32
      %eq3A_788 = vector.broadcast %eq3A_787 : i32 to vector<16xi32>
      %eq3A_789 = arith.cmpi eq, %iota3A, %eq3A_788 : vector<16xi32>
      %broadcast_in_dim3A_790 = vector.broadcast %reduce_min3A_761 : i32 to vector<16xi32>
      %select_n3A_791 = arith.select %eq3A_789, %broadcast_in_dim3A_790, %select_n3A_720 : vector<16xi1>, vector<16xi32>
      %max3A_792 = arith.maximumf %select_n3A_766, %select_n3A_771 : vector<16xf32>
      %max3A_793 = arith.maximumf %max3A_792, %select_n3A_776 : vector<16xf32>
      %max3A_794 = arith.maximumf %max3A_793, %select_n3A_781 : vector<16xf32>
      %reduce_max3A_795 = arith.constant true
      %reduce_max3A_796 = vector.broadcast %reduce_max3A_795 : i1 to vector<16xi1>
      %reduce_max3A_797 = tpu.scan <max>, %max3A_794 masked %reduce_max3A_796 : vector<16xf32>, vector<16xi1> -> vector<16xf32>
      %reduce_max3A_798 = vector.extract %reduce_max3A_797[15] : f32 from vector<16xf32>
      %broadcast_in_dim3A_799 = arith.constant 2147483647 : i32
      %broadcast_in_dim3A_800 = vector.broadcast %broadcast_in_dim3A_799 : i32 to vector<16xi32>
      %eq3A_801 = vector.broadcast %reduce_max3A_798 : f32 to vector<16xf32>
      %eq3A_802 = arith.cmpf oeq, %select_n3A_766, %eq3A_801 : vector<16xf32>
      %jit3A_803 = arith.constant 2147483647 : i32
      %broadcast_in_dim3A_804 = vector.broadcast %jit3A_803 : i32 to vector<16xi32>
      %select_n3A_805 = arith.select %eq3A_802, %get3A_497, %broadcast_in_dim3A_804 : vector<16xi1>, vector<16xi32>
      %min3A_806 = arith.minsi %broadcast_in_dim3A_800, %select_n3A_805 : vector<16xi32>
      %eq3A_807 = vector.broadcast %reduce_max3A_798 : f32 to vector<16xf32>
      %eq3A_808 = arith.cmpf oeq, %select_n3A_771, %eq3A_807 : vector<16xf32>
      %jit3A_809 = arith.constant 2147483647 : i32
      %broadcast_in_dim3A_810 = vector.broadcast %jit3A_809 : i32 to vector<16xi32>
      %select_n3A_811 = arith.select %eq3A_808, %get3A_499, %broadcast_in_dim3A_810 : vector<16xi1>, vector<16xi32>
      %min3A_812 = arith.minsi %min3A_806, %select_n3A_811 : vector<16xi32>
      %eq3A_813 = vector.broadcast %reduce_max3A_798 : f32 to vector<16xf32>
      %eq3A_814 = arith.cmpf oeq, %select_n3A_776, %eq3A_813 : vector<16xf32>
      %jit3A_815 = arith.constant 2147483647 : i32
      %broadcast_in_dim3A_816 = vector.broadcast %jit3A_815 : i32 to vector<16xi32>
      %select_n3A_817 = arith.select %eq3A_814, %get3A_501, %broadcast_in_dim3A_816 : vector<16xi1>, vector<16xi32>
      %min3A_818 = arith.minsi %min3A_812, %select_n3A_817 : vector<16xi32>
      %eq3A_819 = vector.broadcast %reduce_max3A_798 : f32 to vector<16xf32>
      %eq3A_820 = arith.cmpf oeq, %select_n3A_781, %eq3A_819 : vector<16xf32>
      %jit3A_821 = arith.constant 2147483647 : i32
      %broadcast_in_dim3A_822 = vector.broadcast %jit3A_821 : i32 to vector<16xi32>
      %select_n3A_823 = arith.select %eq3A_820, %get3A_503, %broadcast_in_dim3A_822 : vector<16xi1>, vector<16xi32>
      %min3A_824 = arith.minsi %min3A_818, %select_n3A_823 : vector<16xi32>
      %reduce_min3A_825 = arith.constant true
      %reduce_min3A_826 = vector.broadcast %reduce_min3A_825 : i1 to vector<16xi1>
      %reduce_min3A_827 = arith.constant -2147483648 : i32
      %reduce_min3A_828 = vector.broadcast %reduce_min3A_827 : i32 to vector<16xi32>
      %reduce_min3A_829 = arith.xori %min3A_824, %reduce_min3A_828 : vector<16xi32>
      %reduce_min3A_830 = tpu.scan <min>, %reduce_min3A_829 masked %reduce_min3A_826 : vector<16xi32>, vector<16xi1> -> vector<16xi32>
      %reduce_min3A_831 = arith.xori %reduce_min3A_830, %reduce_min3A_828 : vector<16xi32>
      %reduce_min3A_832 = vector.extract %reduce_min3A_831[15] : i32 from vector<16xi32>
      %eq3A_833 = vector.broadcast %reduce_min3A_832 : i32 to vector<16xi32>
      %eq3A_834 = arith.cmpi eq, %get3A_497, %eq3A_833 : vector<16xi32>
      %jit3A_835 = arith.constant -3.000000e+38 : f32
      %broadcast_in_dim3A_836 = vector.broadcast %jit3A_835 : f32 to vector<16xf32>
      %select_n3A_837 = arith.select %eq3A_834, %broadcast_in_dim3A_836, %select_n3A_766 : vector<16xi1>, vector<16xf32>
      %eq3A_838 = vector.broadcast %reduce_min3A_832 : i32 to vector<16xi32>
      %eq3A_839 = arith.cmpi eq, %get3A_499, %eq3A_838 : vector<16xi32>
      %jit3A_840 = arith.constant -3.000000e+38 : f32
      %broadcast_in_dim3A_841 = vector.broadcast %jit3A_840 : f32 to vector<16xf32>
      %select_n3A_842 = arith.select %eq3A_839, %broadcast_in_dim3A_841, %select_n3A_771 : vector<16xi1>, vector<16xf32>
      %eq3A_843 = vector.broadcast %reduce_min3A_832 : i32 to vector<16xi32>
      %eq3A_844 = arith.cmpi eq, %get3A_501, %eq3A_843 : vector<16xi32>
      %jit3A_845 = arith.constant -3.000000e+38 : f32
      %broadcast_in_dim3A_846 = vector.broadcast %jit3A_845 : f32 to vector<16xf32>
      %select_n3A_847 = arith.select %eq3A_844, %broadcast_in_dim3A_846, %select_n3A_776 : vector<16xi1>, vector<16xf32>
      %eq3A_848 = vector.broadcast %reduce_min3A_832 : i32 to vector<16xi32>
      %eq3A_849 = arith.cmpi eq, %get3A_503, %eq3A_848 : vector<16xi32>
      %jit3A_850 = arith.constant -3.000000e+38 : f32
      %broadcast_in_dim3A_851 = vector.broadcast %jit3A_850 : f32 to vector<16xf32>
      %select_n3A_852 = arith.select %eq3A_849, %broadcast_in_dim3A_851, %select_n3A_781 : vector<16xi1>, vector<16xf32>
      %eq3A_853 = arith.constant 4 : i32
      %eq3A_854 = vector.broadcast %eq3A_853 : i32 to vector<16xi32>
      %eq3A_855 = arith.cmpi eq, %iota3A, %eq3A_854 : vector<16xi32>
      %broadcast_in_dim3A_856 = vector.broadcast %reduce_max3A_798 : f32 to vector<16xf32>
      %select_n3A_857 = arith.select %eq3A_855, %broadcast_in_dim3A_856, %select_n3A_786 : vector<16xi1>, vector<16xf32>
      %eq3A_858 = arith.constant 4 : i32
      %eq3A_859 = vector.broadcast %eq3A_858 : i32 to vector<16xi32>
      %eq3A_860 = arith.cmpi eq, %iota3A, %eq3A_859 : vector<16xi32>
      %broadcast_in_dim3A_861 = vector.broadcast %reduce_min3A_832 : i32 to vector<16xi32>
      %select_n3A_862 = arith.select %eq3A_860, %broadcast_in_dim3A_861, %select_n3A_791 : vector<16xi1>, vector<16xi32>
      %swap3A_863 = arith.constant 0 : index
      %swap3A_864 = tpu.vector_load %arg6[%swap3A_863] {strides = array<i32>} : memref<16xf32, #tpu.memory_space<vmem>>, vector<16xf32>,
      tpu.vector_store %arg6[%swap3A_863], %select_n3A_857 {strides = array<i32>} : memref<16xf32, #tpu.memory_space<vmem>>, vector<16xf32>,
      %swap3A_865 = arith.constant 0 : index
      %swap3A_866 = tpu.vector_load %arg7[%swap3A_865] {strides = array<i32>} : memref<16xi32, #tpu.memory_space<vmem>>, vector<16xi32>,
      tpu.vector_store %arg7[%swap3A_865], %select_n3A_862 {strides = array<i32>} : memref<16xi32, #tpu.memory_space<vmem>>, vector<16xi32>,
      "tpu.region"() ({
        %run_scoped3A = tpu.sem_alloc : memref<!tpu.dma_semaphore, #tpu.memory_space<semaphore_mem>>
        %dma_start3A = arith.constant 0 : i32
        %dma_start3A_867 = tpu.memref_slice %arg3[%add3A, %dma_start3A] : memref<8x16xf32, #tpu.memory_space<hbm>> -> memref<1x16xf32, #tpu.memory_space<hbm>>
        %dma_start3A_868 = tpu.memref_squeeze %dma_start3A_867 : memref<1x16xf32, #tpu.memory_space<hbm>> -> memref<16xf32, #tpu.memory_space<hbm>>
        %dma_start3A_869 = arith.constant 0 : i32
        %dma_start3A_870 = tpu.memref_slice %arg3[%add3A, %dma_start3A_869] : memref<8x16xf32, #tpu.memory_space<hbm>> -> memref<1x16xf32, #tpu.memory_space<hbm>>
        %dma_start3A_871 = tpu.memref_squeeze %dma_start3A_870 : memref<1x16xf32, #tpu.memory_space<hbm>> -> memref<16xf32, #tpu.memory_space<hbm>>
        tpu.enqueue_dma source(%arg6 : memref<16xf32, #tpu.memory_space<vmem>>) target(%dma_start3A_871 : memref<16xf32, #tpu.memory_space<hbm>>) target_semaphore(%run_scoped3A : memref<!tpu.dma_semaphore, #tpu.memory_space<semaphore_mem>>)
        %dma_wait3A = arith.constant 0 : i32
        %dma_wait3A_872 = tpu.memref_slice %arg3[%add3A, %dma_wait3A] : memref<8x16xf32, #tpu.memory_space<hbm>> -> memref<1x16xf32, #tpu.memory_space<hbm>>
        %dma_wait3A_873 = tpu.memref_squeeze %dma_wait3A_872 : memref<1x16xf32, #tpu.memory_space<hbm>> -> memref<16xf32, #tpu.memory_space<hbm>>
        %dma_wait3A_874 = arith.constant 0 : i32
        %dma_wait3A_875 = tpu.memref_slice %arg3[%add3A, %dma_wait3A_874] : memref<8x16xf32, #tpu.memory_space<hbm>> -> memref<1x16xf32, #tpu.memory_space<hbm>>
        %dma_wait3A_876 = tpu.memref_squeeze %dma_wait3A_875 : memref<1x16xf32, #tpu.memory_space<hbm>> -> memref<16xf32, #tpu.memory_space<hbm>>
        tpu.wait_dma2 semaphore(%run_scoped3A : memref<!tpu.dma_semaphore, #tpu.memory_space<semaphore_mem>>) src(%arg6 : memref<16xf32, #tpu.memory_space<vmem>>) dst(%dma_wait3A_876 : memref<16xf32, #tpu.memory_space<hbm>>)
        tpu.yield
      }) : () -> ()
      "tpu.region"() ({
        %run_scoped3A = tpu.sem_alloc : memref<!tpu.dma_semaphore, #tpu.memory_space<semaphore_mem>>
        %dma_start3A = arith.constant 0 : i32
        %dma_start3A_867 = tpu.memref_slice %arg4[%add3A, %dma_start3A] : memref<8x16xi32, #tpu.memory_space<hbm>> -> memref<1x16xi32, #tpu.memory_space<hbm>>
        %dma_start3A_868 = tpu.memref_squeeze %dma_start3A_867 : memref<1x16xi32, #tpu.memory_space<hbm>> -> memref<16xi32, #tpu.memory_space<hbm>>
        %dma_start3A_869 = arith.constant 0 : i32
        %dma_start3A_870 = tpu.memref_slice %arg4[%add3A, %dma_start3A_869] : memref<8x16xi32, #tpu.memory_space<hbm>> -> memref<1x16xi32, #tpu.memory_space<hbm>>
        %dma_start3A_871 = tpu.memref_squeeze %dma_start3A_870 : memref<1x16xi32, #tpu.memory_space<hbm>> -> memref<16xi32, #tpu.memory_space<hbm>>
        tpu.enqueue_dma source(%arg7 : memref<16xi32, #tpu.memory_space<vmem>>) target(%dma_start3A_871 : memref<16xi32, #tpu.memory_space<hbm>>) target_semaphore(%run_scoped3A : memref<!tpu.dma_semaphore, #tpu.memory_space<semaphore_mem>>)
        %dma_wait3A = arith.constant 0 : i32
        %dma_wait3A_872 = tpu.memref_slice %arg4[%add3A, %dma_wait3A] : memref<8x16xi32, #tpu.memory_space<hbm>> -> memref<1x16xi32, #tpu.memory_space<hbm>>
        %dma_wait3A_873 = tpu.memref_squeeze %dma_wait3A_872 : memref<1x16xi32, #tpu.memory_space<hbm>> -> memref<16xi32, #tpu.memory_space<hbm>>
        %dma_wait3A_874 = arith.constant 0 : i32
        %dma_wait3A_875 = tpu.memref_slice %arg4[%add3A, %dma_wait3A_874] : memref<8x16xi32, #tpu.memory_space<hbm>> -> memref<1x16xi32, #tpu.memory_space<hbm>>
        %dma_wait3A_876 = tpu.memref_squeeze %dma_wait3A_875 : memref<1x16xi32, #tpu.memory_space<hbm>> -> memref<16xi32, #tpu.memory_space<hbm>>
        tpu.wait_dma2 semaphore(%run_scoped3A : memref<!tpu.dma_semaphore, #tpu.memory_space<semaphore_mem>>) src(%arg7 : memref<16xi32, #tpu.memory_space<vmem>>) dst(%dma_wait3A_876 : memref<16xi32, #tpu.memory_space<hbm>>)
        tpu.yield
      }) : () -> ()
    } else {
    }
    return
  }
}

module attributes {stable_mosaic.version = 14 : i64} {
  func.func @_proj_body(%arg0: i32, %arg1: i32, %arg2: memref<1x1024x1024xf32, #tpu.memory_space<vmem>>, %arg3: memref<1x1024x1024xf32, #tpu.memory_space<vmem>>, %arg4: memref<2x1024xf32, #tpu.memory_space<vmem>>, %arg5: memref<1x1x2048xf32, #tpu.memory_space<vmem>>, %arg6: memref<1x2x2048xf32, #tpu.memory_space<vmem>>, %arg7: memref<1x2x128xf32, #tpu.memory_space<vmem>>, %arg8: memref<8x128xf32, #tpu.memory_space<vmem>>, %arg9: memref<8x128xf32, #tpu.memory_space<vmem>>) attributes {dimension_semantics = [#tpu.dimension_semantics<parallel>, #tpu.dimension_semantics<arbitrary>], iteration_bounds = array<i64: 4, 4>, scalar_prefetch = 0 : i64, scratch_operands = 2 : i64, tpu.core_type = #tpu.core_type<tc>, window_params = [{transform_indices = @transform_0, window_bounds = array<i64: 1, 1024, 1024>}, {transform_indices = @transform_1, window_bounds = array<i64: 1, 1024, 1024>}, {pipeline_mode = #tpu.pipeline_mode<synchronous>, transform_indices = @transform_2, window_bounds = array<i64: 2, 1024>}, {transform_indices = @transform_3, window_bounds = array<i64: 1, 1, 2048>}, {transform_indices = @transform_4, window_bounds = array<i64: 1, 2, 2048>}, {transform_indices = @transform_5, window_bounds = array<i64: 1, 2, 128>}]} {
    %get3A = arith.constant 0 : index
    %get3A_0 = arith.constant 0 : index
    %get3A_1 = vector.load %arg4[%get3A, %get3A_0] : memref<2x1024xf32, #tpu.memory_space<vmem>>, vector<2x1024xf32>
    %get3A_2 = arith.constant 0 : index
    %get3A_3 = arith.constant 0 : index
    %get3A_4 = arith.constant 0 : index
    %get3A_5 = vector.load %arg2[%get3A_2, %get3A_3, %get3A_4] : memref<1x1024x1024xf32, #tpu.memory_space<vmem>>, vector<1x1024x1024xf32>
    %get3A_6 = vector.shape_cast %get3A_5 : vector<1x1024x1024xf32> to vector<1024x1024xf32>
    %dot_general3A = arith.constant dense<0.000000e+00> : vector<2x1024xf32>
    %dot_general3A_7 = tpu.matmul %get3A_1, %get3A_6, %dot_general3A {dimension_numbers = #tpu.dot_dimension_numbers<[1], [1], [0], [0], [0, 0, 1, 0], [], []>, transpose_lhs_hint = false} : vector<2x1024xf32>, vector<1024x1024xf32>, vector<2x1024xf32> -> vector<2x1024xf32>
    %get3A_8 = arith.constant 0 : index
    %get3A_9 = arith.constant 0 : index
    %get3A_10 = arith.constant 0 : index
    %get3A_11 = vector.load %arg3[%get3A_8, %get3A_9, %get3A_10] : memref<1x1024x1024xf32, #tpu.memory_space<vmem>>, vector<1x1024x1024xf32>
    %get3A_12 = vector.shape_cast %get3A_11 : vector<1x1024x1024xf32> to vector<1024x1024xf32>
    %dot_general3A_13 = arith.constant dense<0.000000e+00> : vector<2x1024xf32>
    %dot_general3A_14 = tpu.matmul %get3A_1, %get3A_12, %dot_general3A_13 {dimension_numbers = #tpu.dot_dimension_numbers<[1], [1], [0], [0], [0, 0, 1, 0], [], []>, transpose_lhs_hint = false} : vector<2x1024xf32>, vector<1024x1024xf32>, vector<2x1024xf32> -> vector<2x1024xf32>
    %concatenate3A = tpu.concatenate %dot_general3A_7, %dot_general3A_14 in 1 : vector<2x1024xf32>, vector<2x1024xf32> -> vector<2x2048xf32>
    %get3A_15 = arith.constant 0 : index
    %get3A_16 = arith.constant 0 : index
    %get3A_17 = arith.constant 0 : index
    %get3A_18 = vector.load %arg5[%get3A_15, %get3A_16, %get3A_17] : memref<1x1x2048xf32, #tpu.memory_space<vmem>>, vector<1x1x2048xf32>
    %get3A_19 = vector.shape_cast %get3A_18 : vector<1x1x2048xf32> to vector<1x2048xf32>
    %sub3A = arith.constant 1.000000e+00 : f32
    %sub3A_20 = vector.broadcast %sub3A : f32 to vector<1x2048xf32>
    %sub3A_21 = arith.subf %sub3A_20, %get3A_19 : vector<1x2048xf32>
    %mul3A = arith.constant -1.000000e+30 : f32
    %mul3A_22 = vector.broadcast %mul3A : f32 to vector<1x2048xf32>
    %mul3A_23 = arith.mulf %sub3A_21, %mul3A_22 : vector<1x2048xf32>
    %add3A = vector.broadcast %mul3A_23 : vector<1x2048xf32> to vector<2x2048xf32>
    %add3A_24 = arith.addf %concatenate3A, %add3A : vector<2x2048xf32>
    %swap3A = arith.constant 0 : index
    %swap3A_25 = arith.constant 0 : index
    %swap3A_26 = arith.constant 0 : index
    %swap3A_27 = vector.load %arg6[%swap3A, %swap3A_25, %swap3A_26] : memref<1x2x2048xf32, #tpu.memory_space<vmem>>, vector<1x2x2048xf32>
    %swap3A_28 = vector.shape_cast %swap3A_27 : vector<1x2x2048xf32> to vector<2x2048xf32>
    %swap3A_29 = vector.shape_cast %add3A_24 : vector<2x2048xf32> to vector<1x2x2048xf32>
    tpu.vector_store %arg6[%swap3A, %swap3A_25, %swap3A_26], %swap3A_29 {strides = array<i32>} : memref<1x2x2048xf32, #tpu.memory_space<vmem>>, vector<1x2x2048xf32>,
    %reduce_max3A = arith.constant dense<0xFF800000> : vector<2xf32>
    %reduce_max3A_30 = vector.multi_reduction <maximumf>, %add3A_24, %reduce_max3A [1] : vector<2x2048xf32> to vector<2xf32>
    %broadcast_in_dim3A = vector.shape_cast %reduce_max3A_30 : vector<2xf32> to vector<2x1xf32>
    %sub3A_31 = vector.broadcast %broadcast_in_dim3A : vector<2x1xf32> to vector<2x2048xf32>
    %sub3A_32 = arith.subf %add3A_24, %sub3A_31 : vector<2x2048xf32>
    %exp3A = math.exp %sub3A_32 : vector<2x2048xf32>
    %reduce_sum3A = arith.constant dense<0.000000e+00> : vector<2xf32>
    %reduce_sum3A_33 = vector.multi_reduction <add>, %exp3A, %reduce_sum3A [1] : vector<2x2048xf32> to vector<2xf32>
    %broadcast_in_dim3A_34 = vector.shape_cast %reduce_sum3A_33 : vector<2xf32> to vector<2x1xf32>
    %broadcast_in_dim3A_35 = vector.shape_cast %broadcast_in_dim3A : vector<2x1xf32> to vector<2x1xf32>
    %broadcast_in_dim3A_36 = vector.broadcast %broadcast_in_dim3A_35 : vector<2x1xf32> to vector<2x128xf32>
    %broadcast_in_dim3A_37 = vector.shape_cast %broadcast_in_dim3A_34 : vector<2x1xf32> to vector<2x1xf32>
    %broadcast_in_dim3A_38 = vector.broadcast %broadcast_in_dim3A_37 : vector<2x1xf32> to vector<2x128xf32>
    %eq3A = arith.constant 0 : i32
    %eq3A_39 = arith.cmpi eq, %arg1, %eq3A : i32
    %convert_element_type3A = arith.extui %eq3A_39 : i1 to i32
    %cond3A = arith.constant 0 : i32
    %cond3A_40 = arith.cmpi ne, %convert_element_type3A, %cond3A : i32
    scf.if %cond3A_40 {
      %swap3A_50 = arith.constant 0 : index
      %swap3A_51 = arith.constant 0 : index
      %swap3A_52 = vector.load %arg8[%swap3A_50, %swap3A_51] : memref<8x128xf32, #tpu.memory_space<vmem>>, vector<2x128xf32>
      tpu.vector_store %arg8[%swap3A_50, %swap3A_51], %broadcast_in_dim3A_36 {strides = array<i32>} : memref<8x128xf32, #tpu.memory_space<vmem>>, vector<2x128xf32>,
      %swap3A_53 = arith.constant 0 : index
      %swap3A_54 = arith.constant 0 : index
      %swap3A_55 = vector.load %arg9[%swap3A_53, %swap3A_54] : memref<8x128xf32, #tpu.memory_space<vmem>>, vector<2x128xf32>
      tpu.vector_store %arg9[%swap3A_53, %swap3A_54], %broadcast_in_dim3A_38 {strides = array<i32>} : memref<8x128xf32, #tpu.memory_space<vmem>>, vector<2x128xf32>,
    } else {
    }
    %gt3A = arith.constant 0 : i32
    %gt3A_41 = arith.cmpi sgt, %arg1, %gt3A : i32
    %convert_element_type3A_42 = arith.extui %gt3A_41 : i1 to i32
    %cond3A_43 = arith.constant 0 : i32
    %cond3A_44 = arith.cmpi ne, %convert_element_type3A_42, %cond3A_43 : i32
    scf.if %cond3A_44 {
      %get3A_50 = arith.constant 0 : index
      %get3A_51 = arith.constant 0 : index
      %get3A_52 = vector.load %arg8[%get3A_50, %get3A_51] : memref<8x128xf32, #tpu.memory_space<vmem>>, vector<2x128xf32>
      %get3A_53 = arith.constant 0 : index
      %get3A_54 = arith.constant 0 : index
      %get3A_55 = vector.load %arg9[%get3A_53, %get3A_54] : memref<8x128xf32, #tpu.memory_space<vmem>>, vector<2x128xf32>
      %max3A = arith.maximumf %get3A_52, %broadcast_in_dim3A_36 : vector<2x128xf32>
      %sub3A_56 = arith.subf %get3A_52, %max3A : vector<2x128xf32>
      %exp3A_57 = math.exp %sub3A_56 : vector<2x128xf32>
      %mul3A_58 = arith.mulf %get3A_55, %exp3A_57 : vector<2x128xf32>
      %sub3A_59 = arith.subf %broadcast_in_dim3A_36, %max3A : vector<2x128xf32>
      %exp3A_60 = math.exp %sub3A_59 : vector<2x128xf32>
      %mul3A_61 = arith.mulf %broadcast_in_dim3A_38, %exp3A_60 : vector<2x128xf32>
      %add3A_62 = arith.addf %mul3A_58, %mul3A_61 : vector<2x128xf32>
      %swap3A_63 = arith.constant 0 : index
      %swap3A_64 = arith.constant 0 : index
      %swap3A_65 = vector.load %arg8[%swap3A_63, %swap3A_64] : memref<8x128xf32, #tpu.memory_space<vmem>>, vector<2x128xf32>
      tpu.vector_store %arg8[%swap3A_63, %swap3A_64], %max3A {strides = array<i32>} : memref<8x128xf32, #tpu.memory_space<vmem>>, vector<2x128xf32>,
      %swap3A_66 = arith.constant 0 : index
      %swap3A_67 = arith.constant 0 : index
      %swap3A_68 = vector.load %arg9[%swap3A_66, %swap3A_67] : memref<8x128xf32, #tpu.memory_space<vmem>>, vector<2x128xf32>
      tpu.vector_store %arg9[%swap3A_66, %swap3A_67], %add3A_62 {strides = array<i32>} : memref<8x128xf32, #tpu.memory_space<vmem>>, vector<2x128xf32>,
    } else {
    }
    %eq3A_45 = arith.constant 3 : i32
    %eq3A_46 = arith.cmpi eq, %arg1, %eq3A_45 : i32
    %convert_element_type3A_47 = arith.extui %eq3A_46 : i1 to i32
    %cond3A_48 = arith.constant 0 : i32
    %cond3A_49 = arith.cmpi ne, %convert_element_type3A_47, %cond3A_48 : i32
    scf.if %cond3A_49 {
      %get3A_50 = arith.constant 0 : index
      %get3A_51 = arith.constant 0 : index
      %get3A_52 = vector.load %arg8[%get3A_50, %get3A_51] : memref<8x128xf32, #tpu.memory_space<vmem>>, vector<2x128xf32>
      %get3A_53 = arith.constant 0 : index
      %get3A_54 = arith.constant 0 : index
      %get3A_55 = vector.load %arg9[%get3A_53, %get3A_54] : memref<8x128xf32, #tpu.memory_space<vmem>>, vector<2x128xf32>
      %log3A = math.log %get3A_55 : vector<2x128xf32>
      %add3A_56 = arith.addf %get3A_52, %log3A : vector<2x128xf32>
      %swap3A_57 = arith.constant 0 : index
      %swap3A_58 = arith.constant 0 : index
      %swap3A_59 = arith.constant 0 : index
      %swap3A_60 = vector.load %arg7[%swap3A_57, %swap3A_58, %swap3A_59] : memref<1x2x128xf32, #tpu.memory_space<vmem>>, vector<1x2x128xf32>
      %swap3A_61 = vector.shape_cast %swap3A_60 : vector<1x2x128xf32> to vector<2x128xf32>
      %swap3A_62 = vector.shape_cast %add3A_56 : vector<2x128xf32> to vector<1x2x128xf32>
      tpu.vector_store %arg7[%swap3A_57, %swap3A_58, %swap3A_59], %swap3A_62 {strides = array<i32>} : memref<1x2x128xf32, #tpu.memory_space<vmem>>, vector<1x2x128xf32>,
    } else {
    }
    return
  }
  func.func @transform_0(%arg0: i32, %arg1: i32) -> (i32, i32, i32) {
    %mul3A = arith.constant 2 : i32
    %mul3A_0 = arith.muli %mul3A, %arg1 : i32
    %c0_i32 = arith.constant 0 : i32
    %c0_i32_1 = arith.constant 0 : i32
    return %arg0, %mul3A_0, %c0_i32 : i32, i32, i32
  }
  func.func @transform_1(%arg0: i32, %arg1: i32) -> (i32, i32, i32) {
    %mul3A = arith.constant 2 : i32
    %mul3A_0 = arith.muli %mul3A, %arg1 : i32
    %add3A = arith.constant 1 : i32
    %add3A_1 = arith.addi %mul3A_0, %add3A : i32
    %c0_i32 = arith.constant 0 : i32
    %c0_i32_2 = arith.constant 0 : i32
    return %arg0, %add3A_1, %c0_i32 : i32, i32, i32
  }
  func.func @transform_2(%arg0: i32, %arg1: i32) -> (i32, i32) {
    %c0_i32 = arith.constant 0 : i32
    %c0_i32_0 = arith.constant 0 : i32
    %c0_i32_1 = arith.constant 0 : i32
    return %c0_i32, %c0_i32_0 : i32, i32
  }
  func.func @transform_3(%arg0: i32, %arg1: i32) -> (i32, i32, i32) {
    %c0_i32 = arith.constant 0 : i32
    %c0_i32_0 = arith.constant 0 : i32
    return %arg0, %c0_i32, %arg1 : i32, i32, i32
  }
  func.func @transform_4(%arg0: i32, %arg1: i32) -> (i32, i32, i32) {
    %c0_i32 = arith.constant 0 : i32
    %c0_i32_0 = arith.constant 0 : i32
    return %arg0, %c0_i32, %arg1 : i32, i32, i32
  }
  func.func @transform_5(%arg0: i32, %arg1: i32) -> (i32, i32, i32) {
    %c0_i32 = arith.constant 0 : i32
    %c0_i32_0 = arith.constant 0 : i32
    %c0_i32_1 = arith.constant 0 : i32
    return %arg0, %c0_i32, %c0_i32_0 : i32, i32, i32
  }
}

</mosaic_0001>

<sc_bundles>
// kernel: kernel.4.cloned.1.call-start
scs
__scs_entry_jumppad:
0x0: {  	(pc) =	sbr.rel $0x88, $3  }
0x1: {  	(tag) =	ssettag $0x0;
	lr =	simm.s32 $0x1  }
0x2: {  	[smem:$0x3F9D] =	sst lr;
	_ =	strace $0xD0000000  }
0x3: {  	_ = 	snop  }
0x4: {  	_ = 	snop  }
0x5: {  	_ = 	snop  }
0x6: {  	_ = 	snop  }
0x7: {  	_ = 	snop  }
__scs_overlays_trampoline_lowered:
0x8: {  	[smem:$0x3FAC] =	sst s0  }
0x9: {  	[smem:$0x3FAD] =	sst s1  }
0xa: {  	[smem:$0x3FAE] =	sst s2  }
0xb: {  	[smem:$0x3FAF] =	sst s3  }
0xc: {  	[smem:$0x3FB0] =	sst s4  }
0xd: {  	[smem:$0x3FB1] =	sst s5  }
0xe: {  	[smem:$0x3FB2] =	sst s6  }
0xf: {  	[smem:$0x3FB3] =	sst s7  }
0x10: {  	[smem:$0x3FB4] =	sst s8  }
0x11: {  	[smem:$0x3FB5] =	sst s9;
	s0 =	simm.s32 @!p0 $0x0  }
0x12: {  	s1 =	sld [smem:$0x3F9B];
	s0 =	simm.s32 @p0 $0x1  }
0x13: {  	[smem:$0x3FB6] =	sst s0;
	s0 =	simm.s32 @!p1 $0x0  }
0x14: {  	s2 =	sld [smem:$0x3F9A];
	s0 =	simm.s32 @p1 $0x1  }
0x15: {  	[smem:$0x3FB7] =	sst s0;
	s0 =	simm.s32 @!p2 $0x0  }
0x16: {  	s3 =	sld [smem:$0x3FDB];
	s0 =	simm.s32 @p2 $0x1  }
0x17: {  	s4 =	simm.s32 $0x1BF5;
	[smem:$0x3FB9] =	sst s0  }
0x18: {  	s0 =	sld [smem:$0x3F9C];
	_ =	swait.ge [sflag:s4], $0x0  }
0x19: {  	s7 =	sld [smem:$0x3F9D]  }
0x1a: {  	s8 =	sadd.s32 $0xFFFFE003, lr  }
0x1b: {  	s9 =	sadd.s32 $0xFFFFFEF7, lr;
	s5 =	simm.s32 $0xFFFFFFFF;
	p2 =	slt.u32 s8, $0xFFFFF086  }
0x1c: {  	p1 =	slt.u32 s9, $0xF7A;
	s5 =	simm.s32 @!p2 $0x0  }
0x1d: {  	s5 =	simm.s32 @p1 $0x1;
	p0 =	seq.s32 s7, s2  }
0x1e: {  	s7 =	smul.u32 @!p0 $0xF7A, s2;
	p2 =	seq.s32 @!p0 s5, $0x0  }
0x1f: {  	s9 =	smul.u32 $0xF7A, s1;
	s8 =	simm.s32 @!p0 $0x1BF5;
	p2 =	por !p2, p0  }
0x20: {  	[sflag:s8] =	ssyncset.s32 @!p0 $0xFFFFF086;
	s6 =	sadd.s32 @!p0 s3, s7;
	s7 =	simm.s32 @!p0 $0x108  }
0x21: {  	s3 =	sadd.s32 s3, s9;
	s6 =	sadd.s32 @!p0 $0x88, s6;
	s7 =	simm.s32 @p2 $0x1082  }
0x22: {  	[simem:s7], [sflag:s8] =	dma.local @!p0 [hbm:s6], $0xF7A  }
0x23: {  	s9 =	sor.u32 $0xD0000000, s2;
	s6 =	simm.s32 $0x108;
	_ =	swait.ge @!p0 [sflag:s8], $0x0  }
0x24: {  	s3 =	sadd.s32 $0x88, s3;
	s6 =	simm.s32 @!p1 $0x1082;
	[sflag:s4] =	ssyncset.s32 $0xFFFFF086  }
0x25: {  	[simem:s6], [sflag:s4] =	dma.local [hbm:s3], $0xF7A  }
0x26: {  	[smem:$0x3F9D] =	sst s1;
	(tag) =	ssettag s2;
	_ =	strace s9  }
0x27: {  	s1 =	sld [smem:$0x3FAD]  }
0x28: {  	s2 =	sld [smem:$0x3FAE]  }
0x29: {  	s4 =	sld [smem:$0x3FB0]  }
0x2a: {  	p0 =	seq.s32 s5, $0x0;
	s5 =	sld [smem:$0x3FB1]  }
0x2b: {  	s6 =	sld [smem:$0x3FB2]  }
0x2c: {  	s7 =	sld [smem:$0x3FB3]  }
0x2d: {  	s3 =	simm.s32 $0x108;
	s8 =	sld [smem:$0x3FB4]  }
0x2e: {  	s3 =	simm.s32 @!p0 $0x1082;
	s9 =	sld [smem:$0x3FB5]  }
0x2f: {  	lr =	sadd.s32 s0, s3;
	s0 =	sld [smem:$0x3FAC]  }
0x30: {  	s3 =	sld [smem:$0x3FAF]  }
0x31: {  	[smem:$0x3FB8] =	sst s10  }
0x32: {  	s10 =	sld [smem:$0x3FB6];
	_ =	sdelay $0x3  }
0x33: {  	p0 =	seq.s32 s10, $0x1;
	s10 =	sld [smem:$0x3FB8];
	_ =	sdelay $0x3  }
0x34: {  	[smem:$0x3FB8] =	sst s10  }
0x35: {  	s10 =	sld [smem:$0x3FB7];
	_ =	sdelay $0x3  }
0x36: {  	p1 =	seq.s32 s10, $0x1;
	s10 =	sld [smem:$0x3FB8];
	_ =	sdelay $0x3  }
0x37: {  	[smem:$0x3FB8] =	sst s10  }
0x38: {  	s10 =	sld [smem:$0x3FB9]  }
0x39: {  	_ = 	snop;
	(pc) =	sbr.ind lr, $3  }
0x3a: {  	_ = 	snop  }
0x3b: {  	_ = 	snop  }
0x3c: {  	p2 =	seq.s32 s10, $0x1;
	s10 =	sld [smem:$0x3FB8]  }
0x3d: {  	_ =	shalt  }
0x3e: {  	_ =	shalt  }
0x3f: {  	_ =	shalt  }
0x40: {  	_ =	shalt  }
0x41: {  	_ =	shalt  }
0x42: {  	_ =	shalt  }
0x43: {  	_ =	shalt  }
0x44: {  	_ =	shalt  }
0x45: {  	_ =	shalt  }
0x46: {  	_ =	shalt  }
0x47: {  	_ =	shalt  }
0x48: {  	_ =	shalt  }
0x49: {  	_ =	shalt  }
0x4a: {  	_ =	shalt  }
0x4b: {  	_ =	shalt  }
0x4c: {  	_ =	shalt  }
0x4d: {  	_ =	shalt  }
0x4e: {  	_ =	shalt  }
0x4f: {  	_ =	shalt  }
0x50: {  	_ =	shalt  }
0x51: {  	_ =	shalt  }
0x52: {  	_ =	shalt  }
0x53: {  	_ =	shalt  }
0x54: {  	_ =	shalt  }
0x55: {  	_ =	shalt  }
0x56: {  	_ =	shalt  }
0x57: {  	_ =	shalt  }
0x58: {  	_ =	shalt  }
0x59: {  	_ =	shalt  }
0x5a: {  	_ =	shalt  }
0x5b: {  	_ =	shalt  }
0x5c: {  	_ =	shalt  }
0x5d: {  	_ =	shalt  }
0x5e: {  	_ =	shalt  }
0x5f: {  	_ =	shalt  }
0x60: {  	_ =	shalt  }
0x61: {  	_ =	shalt  }
0x62: {  	_ =	shalt  }
0x63: {  	_ =	shalt  }
0x64: {  	_ =	shalt  }
0x65: {  	_ =	shalt  }
0x66: {  	_ =	shalt  }
0x67: {  	_ =	shalt  }
0x68: {  	_ =	shalt  }
0x69: {  	_ =	shalt  }
0x6a: {  	_ =	shalt  }
0x6b: {  	_ =	shalt  }
0x6c: {  	_ =	shalt  }
0x6d: {  	_ =	shalt  }
0x6e: {  	_ =	shalt  }
0x6f: {  	_ =	shalt  }
0x70: {  	_ =	shalt  }
0x71: {  	_ =	shalt  }
0x72: {  	_ =	shalt  }
0x73: {  	_ =	shalt  }
0x74: {  	_ =	shalt  }
0x75: {  	_ =	shalt  }
0x76: {  	_ =	shalt  }
0x77: {  	_ =	shalt  }
0x78: {  	_ =	shalt  }
0x79: {  	_ =	shalt  }
0x7a: {  	_ =	shalt  }
0x7b: {  	_ =	shalt  }
0x7c: {  	_ =	shalt  }
0x7d: {  	_ =	shalt  }
0x7e: {  	_ =	shalt  }
0x7f: {  	_ =	shalt  }
0x80: {  	_ =	shalt  }
0x81: {  	_ =	shalt  }
0x82: {  	_ =	shalt  }
0x83: {  	_ =	shalt  }
0x84: {  	_ =	shalt  }
0x85: {  	_ =	shalt  }
0x86: {  	_ =	shalt  }
0x87: {  	_ =	shalt  }
.Lfunc_end0:
.L_simem_size_0:
called_computation_lowered:
.L_overlay_start_0:
0x88: {  	s2 =	sld [smem:$0x3FD9]  }
0x89: {  	s3 =	sld [smem:$0x3FFE];
	_ =	sdelay $0x1  }
0x8a: {  	s1 =	srdreg.scid  }
0x8b: {  	s0 =	sand.u32 $0x1, s1  }
0x8c: {  	s14 =	sshll.u32 s0, $0xA;
	s2 =	sadd.s32 s3, s2  }
0x8d: {  	s2 =	sadd.s32 s2, s14  }
0x8e: {  	[smem:$0x3FC4] =	sst s2  }
0x8f: {  	_ = 	snop  }
0x90: {  	s2 =	sld [smem:$0x3FD0];
	_ =	sdelay $0x2  }
0x91: {  	s15 =	simm.s32 $0xA;
	s4 =	simm.s32 $0x10  }
0x92: {  	[smem:s4], [sflag:s15] =	dma.local [hbm:s2], $0x1  }
0x93: {  	_ =	swait.eq [sflag:s15], $0x1  }
0x94: {  	[sflag:s15] =	ssyncset.done $0x0  }
0x95: {  	s16 =	sld [smem:$0x10];
	[sflag:s15] =	ssyncadd.s32 $0xFFFFFFFF  }
0x96: {  	s17 =	sld [smem:$0x11];
	(tm) =	ssettm $0x1  }
0x97: {  	s18 =	sld [smem:$0x3FFB];
	_ =	sdelay $0x3  }
0x98: {  	_ =	strace s18  }
0x99: {  	s4 =	sld [smem:$0x3FFC];
	_ =	sdelay $0x3  }
0x9a: {  	_ =	strace s4  }
0x9b: {  	s4 =	sld [smem:$0x3FFD];
	_ =	sdelay $0x3  }
0x9c: {  	_ =	strace s4  }
0x9d: {  	_ =	strace $0x8FFFFFFF  }
0x9e: {  	s19 =	sld [smem:$0x3FDB];
	_ =	sdelay $0x1  }
0x9f: {  	s5 =	simm.s32 $_scs_section_size  }
0xa0: {  	s6 =	simm.s32 $_size__tile_overlayer_lowered;
	s7 =	simm.s32 $_tile_overlayer_lowered  }
0xa1: {  	s22 =	simm.s32 $0x1BFF;
	s21 =	sshll.u32 s7, $0x1;
	s4 =	sadd.s32 s5, s19  }
0xa2: {  	s8 =	simm.s32 $0x0;
	s20 =	sshll.u32 s6, $0x1;
	s6 =	sadd.s32 s21, s4  }
0xa3: {  	[timem:s8], [sflag:s22] =	dma.local [hbm:s6], s20  }
0xa4: {  	_ =	swait.ge [sflag:s22], s20  }
0xa5: {  	s5 =	ssub.s32 $0x0, s20;
	[sflag:s22] =	ssyncset.done $0x0  }
0xa6: {  	[sflag:s22] =	ssyncadd.s32 s5;
	_ =	sdelay $0x1  }
0xa7: {  	s23 =	simm.s32 $0x1B8B  }
0xa8: {  	_ =	swait.ge [sflag:s23], $0x1  }
0xa9: {  	[sflag:s23] =	ssyncset.done $0x0  }
0xaa: {  	s25 =	simm.s32 $0x1B8E;
	s24 =	sld [smem:$0x3FFE];
	[sflag:s23] =	ssyncadd.s32 $0xFFFFFFFF  }
0xab: {  	s26 =	simm.s32 $execute0_lowered;
	[smem:$0x3FD2] =	sst s25  }
0xac: {  	s6 =	sshll.u32 s26, $0x1;
	_ =	strace $0x80000046;
	[dreg:$0x1] =	wrdreg $0xFFFFFFFF  }
0xad: {  	s28 =	simm.s32 $_size_execute0_lowered;
	s4 =	sadd.s32 s4, s6;
	[dreg:$0x0] =	wrdreg $0x0  }
0xae: {  	s6 =	sshll.u32 s28, $0x1;
	[dreg:$0x2] =	wrdreg s4  }
0xaf: {  	[dreg:$0x3] =	wrdreg s6  }
0xb0: {  	[dreg:$0x4] =	wrdreg $0xC0  }
0xb1: {  	_ =	task [dreg:s8], $0x5FFFF  }
0xb2: {  	[dreg:$0x1] =	wrdreg $0xFFFFFFFF  }
0xb3: {  	[dreg:$0x0] =	wrdreg $0x60  }
0xb4: {  	[dreg:$0x2] =	wrdreg s24  }
0xb5: {  	[dreg:$0x3] =	wrdreg s17  }
0xb6: {  	[dreg:$0x4] =	wrdreg s16  }
0xb7: {  	[dreg:$0x5] =	wrdreg $0xA000  }
0xb8: {  	[dreg:$0x6] =	wrdreg $0xA100  }
0xb9: {  	[dreg:$0x7] =	wrdreg $0x9  }
0xba: {  	_ =	task.clear_ibuf [dreg:s8], $0x8FFFF;
	_ =	strace $0x90000046  }
0xbb: {  	s29 =	simm.s32 $0x9;
	_ =	strace $0x80000048  }
0xbc: {  	_ =	swait.ge [sflag:s29], $0x1  }
0xbd: {  	[sflag:s29] =	ssyncadd.s32 $0xFFFFFFFF  }
0xbe: {  	_ =	strace $0x90000048  }
0xbf: {  	_ =	sfence  }
0xc0: {  	s30 =	sld [smem:$0x0];
	_ =	sdelay $0x2  }
0xc1: {  	s31 =	sshll.u32 s1, $0xD;
	s1 =	sshrl.u32 s1, $0x2  }
0xc2: {  	s3 =	sand.u32 $0x4000, s31;
	s1 =	sadd.s32 s1, s30  }
0xc3: {  	s0 =	sor.u32 s3, s0;
	s1 =	sshll.u32 s1, $0x11  }
0xc4: {  	s0 =	sor.u32 s1, s0  }
0xc5: {  	s0 =	sadd.s32 $0x8F2B, s0  }
0xc6: {  	[sflag:s0] =	ssyncadd.remote.s32 $0x1  }
0xc7: {  	_ =	sfence.sel $0xFFFF  }
0xc8: {  	[dreg:$0x0] =	wrdreg $0xFFFFFFFF;
	(pc) =	sbr.abs _section_cstart, $3  }
0xc9: {  	[dreg:$0x1] =	wrdreg $0xFFFFFFFF  }
0xca: {  	_ =	task.clear_ibuf [dreg:s8], $0x2FFFF;
	_ =	strace $0x9FFFFFFF  }
0xcb: {  	(tm) =	ssettm $0x7FFFFFFF  }
tec
execute0_lowered:
.L_overlay_start_1:
0x0: {  	(tag) =	ssettag $0x1  }
0x1: {  	s3 =	rddreg [dreg:$0x0]  }
0x2: {  	s7 =	rddreg [dreg:$0x1]  }
0x3: {  	s8 =	rddreg [dreg:$0x2]  }
0x4: {  	s5 =	rddreg [dreg:$0x3]  }
0x5: {  	s6 =	rddreg [dreg:$0x4]  }
0x6: {  	s2 =	srdreg.scid;
	s0 =	rddreg [dreg:$0x5]  }
0x7: {  	s1 =	stileid.u32;
	s14 =	simm.s32 $0x880;
	s15 =	simm.s32 $0x900  }
0x8: {  	s16 =	simm.s32 $0x980;
	s17 =	simm.s32 $0x0;
	s4 =	sand.u32 $0x1, s2  }
0x9: {  	s2 =	simm.s32 $0x0;
	s10 =	sshrl.u32 s1, $0x2;
	s11 =	sshll.u32 s1, $0x4  }
0xa: {  	s13 =	sand.u32 $0x3, s1;
	s9 =	sshll.u32 s4, $0x2;
	[smem:$0x7FF] =	sst s2  }
0xb: {  	s28 =	sand.u32 $0x70, s11;
	s4 =	ssub.s32 $0x2, s4;
	s5 =	sadd.s32 s11, s5  }
0xc: {  	s6 =	sadd.s32 s11, s6;
	s11 =	simm.s32 $0x400;
	p0 =	sne.s32 s13, $0x0  }
0xd: {  	s9 =	sor.u32 s10, s9;
	_ =	strace $0x80000047;
	s3 =	sadd.s32 s28, s3  }
.Ltmp0:
0xe: {  	s30 =	sshrl.u32 s4, $0x1;
	s10 =	simm.s32 $0x80;
	(pc) =	sbr.rel .LBB2_1-.Ltmp0, $4  }
0xf: {  	s12 =	sshll.u32 s9, $0xA;
	s31 =	ssub.s32 s4, s30;
	s4 =	sshll.u32 s13, $0xB  }
0x10: {  	v0 =	vlaneseq.u32;
	s9 =	sshll.u32 s9, $0x4;
	s13 =	simm.s32 $0x800;
	s29 =	sand.u32 $0x1800, s12  }
0x11: {  	vm0 =	vcmask $0x300;
	vm1 =	vcmask $0x314;
	vm2 =	vcmask $0x704;
	s7 =	sadd.s32 s7, s9;
	s8 =	sadd.s32 s8, s9;
	s3 =	sadd.s32 s29, s3  }
0x12: {  	vm3 =	vcmask $0x714;
	vm4 =	vcmask $0xB14;
	vm5 =	vcmask $0xF14;
	s9 =	smax.u32 s31, $0x1;
	s12 =	simm.s32 $0x1;
	s3 =	sadd.s32 $0xC00, s3  }
.LBB2_5:
0x13: {  	s17 =	sadd.s32 $0x1, s17  }
0x14: {  	p1 =	sne.s32 s17, s9  }
.Ltmp1:
0x15: {  	_ = 	snop;
	(pc) =	sbr.rel @!p1 .LBB2_6-.Ltmp1, $1  }
0x16: {  	_ =	sdelay $0x3  }
.LBB2_1:
0x17: {  	[tilespmem:s2], [sflag:$0x1] =	stream.strided.gather [hbm4b:s3+s10], $0x800, s11, s10, $0x38;
	v7 =	vimm.f32 $-3.000000010e+38;
	[tilespmem:$0xA20] =	vst v63  }
0x18: {  	v1 =	vimm.s32 $0x0;
	v2 =	vimm.s32 $0x0;
	v3 =	vimm.s32 $0x0;
	_ =	swait.ge [sflag:s12], $0x800  }
0x19: {  	v5 =	vimm.s32 $0x0;
	v4 =	vimm.s32 $0x0;
	v8 =	vimm.f32 $-3.000000010e+38;
	[sflag:s12] =	ssyncset.done $0x0  }
0x1a: {  	s18 =	simm.s32 $0x40;
	s19 =	simm.s32 $0x0;
	v9 =	vimm.f32 $-3.000000010e+38;
	v10 =	vimm.f32 $-3.000000010e+38;
	v11 =	vimm.f32 $-3.000000010e+38;
	[sflag:s12] =	ssyncadd.s32 $0xFFFFF800  }
.LBB2_2:
0x1b: {  	v6 =	vld [tilespmem:s18+$0xFFFFFFC0];
	_ =	sdelay $0x4  }
0x1c: {  	s20 =	sadd.s32 s19, s4;
	vm6 =	vgt.f32 v6, v11  }
0x1d: {  	v14 =	vld [tilespmem:s18+$0xFFFFFFD0];
	v13 =	vor.u32 s20, v0;
	v12 =	vsel vm6, v11, v6  }
0x1e: {  	v6 =	vsel vm6, v6, v11;
	v15 =	vsel vm6, v13, v4;
	vm7 =	vgt.f32 v12, v10  }
0x1f: {  	v4 =	vsel vm6, v4, v13;
	v11 =	vsel vm7, v10, v12;
	v10 =	vsel vm7, v12, v10  }
0x20: {  	v36 =	vsel vm7, v4, v5;
	v4 =	vsel vm7, v5, v4;
	vm6 =	vgt.f32 v11, v9  }
0x21: {  	v37 =	vsel vm6, v9, v11;
	v5 =	vsel vm6, v11, v9;
	v9 =	vsel vm6, v4, v3  }
0x22: {  	v3 =	vsel vm6, v3, v4;
	vm6 =	vgt.f32 v14, v6;
	vm7 =	vgt.f32 v37, v8  }
0x23: {  	v4 =	vsel vm7, v37, v8;
	v11 =	vsel vm7, v3, v2;
	v8 =	vsel vm7, v8, v37  }
0x24: {  	v2 =	vsel vm7, v2, v3;
	v3 =	vsel vm6, v6, v14;
	vm7 =	vgt.f32 v8, v7  }
0x25: {  	v38 =	vld [tilespmem:s18+$0xFFFFFFE0];
	s21 =	sadd.s32 $0x10, s20;
	v7 =	vsel vm7, v8, v7;
	v1 =	vsel vm7, v2, v1;
	vm7 =	vgt.f32 v3, v10  }
0x26: {  	v6 =	vsel vm6, v14, v6;
	v2 =	vor.u32 s21, v0;
	v8 =	vsel vm7, v10, v3  }
0x27: {  	v39 =	vsel vm6, v2, v15;
	v2 =	vsel vm6, v15, v2;
	v3 =	vsel vm7, v3, v10  }
0x28: {  	vm6 =	vgt.f32 v8, v5;
	v10 =	vsel vm7, v2, v36;
	v2 =	vsel vm7, v36, v2  }
0x29: {  	v40 =	vsel vm6, v5, v8;
	v5 =	vsel vm6, v8, v5;
	v8 =	vsel vm6, v2, v9  }
0x2a: {  	v2 =	vsel vm6, v9, v2;
	vm6 =	vgt.f32 v38, v6;
	vm7 =	vgt.f32 v40, v4  }
0x2b: {  	v9 =	vsel vm7, v40, v4;
	v41 =	vsel vm7, v2, v11;
	v4 =	vsel vm7, v4, v40  }
0x2c: {  	v2 =	vsel vm7, v11, v2;
	v11 =	vsel vm6, v6, v38;
	vm7 =	vgt.f32 v4, v7  }
0x2d: {  	v42 =	vld [tilespmem:s18+$0xFFFFFFF0];
	s26 =	sadd.s32 $0x20, s20;
	v4 =	vsel vm7, v4, v7;
	v1 =	vsel vm7, v2, v1;
	vm7 =	vgt.f32 v11, v3  }
0x2e: {  	v6 =	vsel vm6, v38, v6;
	v2 =	vor.u32 s26, v0;
	v7 =	vsel vm7, v3, v11  }
0x2f: {  	v43 =	vsel vm6, v2, v39;
	v2 =	vsel vm6, v39, v2;
	v3 =	vsel vm7, v11, v3  }
0x30: {  	vm6 =	vgt.f32 v7, v5;
	v11 =	vsel vm7, v2, v10;
	v2 =	vsel vm7, v10, v2  }
0x31: {  	v44 =	vsel vm6, v5, v7;
	v5 =	vsel vm6, v7, v5;
	v7 =	vsel vm6, v2, v8  }
0x32: {  	v2 =	vsel vm6, v8, v2;
	vm6 =	vgt.f32 v42, v6;
	vm7 =	vgt.f32 v44, v9  }
0x33: {  	v45 =	vsel vm6, v6, v42;
	v8 =	vsel vm7, v44, v9;
	v9 =	vsel vm7, v9, v44  }
0x34: {  	v10 =	vsel vm7, v2, v41;
	v2 =	vsel vm7, v41, v2;
	vm7 =	vgt.f32 v9, v4  }
0x35: {  	v46 =	vld [tilespmem:s18+$0x0];
	s28 =	sadd.s32 $0x30, s20;
	v4 =	vsel vm7, v9, v4;
	v1 =	vsel vm7, v2, v1;
	vm7 =	vgt.f32 v45, v3  }
0x36: {  	v6 =	vsel vm6, v42, v6;
	v2 =	vor.u32 s28, v0;
	v9 =	vsel vm7, v3, v45  }
0x37: {  	v47 =	vsel vm6, v2, v43;
	v2 =	vsel vm6, v43, v2;
	v3 =	vsel vm7, v45, v3  }
0x38: {  	vm6 =	vgt.f32 v9, v5;
	v48 =	vsel vm7, v2, v11;
	v2 =	vsel vm7, v11, v2  }
0x39: {  	v49 =	vsel vm6, v5, v9;
	v5 =	vsel vm6, v9, v5;
	v9 =	vsel vm6, v2, v7  }
0x3a: {  	v2 =	vsel vm6, v7, v2;
	vm6 =	vgt.f32 v46, v6;
	vm7 =	vgt.f32 v49, v8  }
0x3b: {  	v7 =	vsel vm7, v49, v8;
	v11 =	vsel vm7, v2, v10;
	v8 =	vsel vm7, v8, v49  }
0x3c: {  	v2 =	vsel vm7, v10, v2;
	v10 =	vsel vm6, v6, v46;
	vm7 =	vgt.f32 v8, v4  }
0x3d: {  	v50 =	vld [tilespmem:s18+$0x10];
	s29 =	sadd.s32 $0x40, s20;
	v4 =	vsel vm7, v8, v4;
	v1 =	vsel vm7, v2, v1;
	vm7 =	vgt.f32 v10, v3  }
0x3e: {  	v6 =	vsel vm6, v46, v6;
	v2 =	vor.u32 s29, v0;
	v8 =	vsel vm7, v3, v10  }
0x3f: {  	v51 =	vsel vm6, v2, v47;
	v2 =	vsel vm6, v47, v2;
	v3 =	vsel vm7, v10, v3  }
0x40: {  	vm6 =	vgt.f32 v8, v5;
	v10 =	vsel vm7, v2, v48;
	v2 =	vsel vm7, v48, v2  }
0x41: {  	v52 =	vsel vm6, v5, v8;
	v5 =	vsel vm6, v8, v5;
	v8 =	vsel vm6, v2, v9  }
0x42: {  	v2 =	vsel vm6, v9, v2;
	vm6 =	vgt.f32 v50, v6;
	vm7 =	vgt.f32 v52, v7  }
0x43: {  	v9 =	vsel vm7, v52, v7;
	v53 =	vsel vm7, v2, v11;
	v7 =	vsel vm7, v7, v52  }
0x44: {  	v2 =	vsel vm7, v11, v2;
	v11 =	vsel vm6, v6, v50;
	vm7 =	vgt.f32 v7, v4  }
0x45: {  	v54 =	vld [tilespmem:s18+$0x20];
	s30 =	sadd.s32 $0x50, s20;
	v4 =	vsel vm7, v7, v4;
	v1 =	vsel vm7, v2, v1;
	vm7 =	vgt.f32 v11, v3  }
0x46: {  	v6 =	vsel vm6, v50, v6;
	v2 =	vor.u32 s30, v0;
	v7 =	vsel vm7, v3, v11  }
0x47: {  	v55 =	vsel vm6, v2, v51;
	v2 =	vsel vm6, v51, v2;
	v3 =	vsel vm7, v11, v3  }
0x48: {  	vm6 =	vgt.f32 v7, v5;
	v11 =	vsel vm7, v2, v10;
	v2 =	vsel vm7, v10, v2  }
0x49: {  	v56 =	vsel vm6, v5, v7;
	v5 =	vsel vm6, v7, v5;
	v7 =	vsel vm6, v2, v8  }
0x4a: {  	v2 =	vsel vm6, v8, v2;
	vm6 =	vgt.f32 v54, v6;
	vm7 =	vgt.f32 v56, v9  }
0x4b: {  	v57 =	vsel vm6, v6, v54;
	v8 =	vsel vm7, v56, v9;
	v9 =	vsel vm7, v9, v56  }
0x4c: {  	v10 =	vsel vm7, v2, v53;
	v2 =	vsel vm7, v53, v2;
	vm7 =	vgt.f32 v9, v4  }
0x4d: {  	v58 =	vld [tilespmem:s18+$0x30];
	s31 =	sadd.s32 $0x60, s20;
	v4 =	vsel vm7, v9, v4;
	v1 =	vsel vm7, v2, v1;
	vm7 =	vgt.f32 v57, v3  }
0x4e: {  	v6 =	vsel vm6, v54, v6;
	v2 =	vor.u32 s31, v0;
	v9 =	vsel vm7, v3, v57  }
0x4f: {  	v59 =	vsel vm6, v2, v55;
	v2 =	vsel vm6, v55, v2;
	v3 =	vsel vm7, v57, v3  }
0x50: {  	vm6 =	vgt.f32 v9, v5;
	v60 =	vsel vm7, v2, v11;
	v2 =	vsel vm7, v11, v2  }
0x51: {  	v61 =	vsel vm6, v5, v9;
	v9 =	vsel vm6, v9, v5;
	v16 =	vsel vm6, v2, v7  }
0x52: {  	v2 =	vsel vm6, v7, v2;
	vm6 =	vgt.f32 v58, v6;
	vm7 =	vgt.f32 v61, v8  }
0x53: {  	v7 =	vsel vm7, v61, v8;
	v5 =	vsel vm7, v8, v61;
	v62 =	vsel vm7, v2, v10  }
0x54: {  	v2 =	vsel vm7, v10, v2;
	v8 =	vsel vm6, v6, v58;
	vm7 =	vgt.f32 v5, v4  }
0x55: {  	s20 =	sadd.s32 $0x70, s20;
	v17 =	vsel vm7, v5, v4;
	v1 =	vsel vm7, v2, v1;
	vm7 =	vgt.f32 v8, v3  }
0x56: {  	v11 =	vsel vm6, v58, v6;
	v2 =	vor.u32 s20, v0;
	v6 =	vsel vm7, v3, v8  }
0x57: {  	p1 =	sne.s32 s19, $0x780;
	v4 =	vsel vm6, v2, v59;
	v2 =	vsel vm6, v59, v2;
	vm6 =	vgt.f32 v6, v9  }
.Ltmp2:
0x58: {  	v10 =	vsel vm7, v8, v3;
	v5 =	vsel vm7, v2, v60;
	v8 =	vsel vm6, v9, v6;
	(pc) =	sbr.rel @p1 .LBB2_2-.Ltmp2, $4  }
0x59: {  	v2 =	vsel vm7, v60, v2;
	v9 =	vsel vm6, v6, v9;
	vm7 =	vgt.f32 v8, v7  }
0x5a: {  	v3 =	vsel vm6, v2, v16;
	v2 =	vsel vm6, v16, v2;
	v6 =	vsel vm7, v7, v8  }
0x5b: {  	v8 =	vsel vm7, v8, v7;
	v63 =	vsel vm7, v62, v2;
	vm6 =	vgt.f32 v6, v17  }
0x5c: {  	s18 =	sadd.s32 $0x80, s18;
	s19 =	sadd.s32 $0x80, s19;
	v2 =	vsel vm7, v2, v62;
	v7 =	vsel vm6, v6, v17;
	v1 =	vsel vm6, v63, v1  }
0x5d: {  	v6 =	vmax.f32 v11, v10  }
0x5e: {  	v6 =	vmax.f32 v6, v9  }
0x5f: {  	v6 =	vmax.f32 v6, v8  }
0x60: {  	v6 =	vmax.f32 v6, v7  }
0x61: {  	(xrf0) =	vmax.scan.msk.f32 $0xffff, v6;
	_ =	sdelay $0x5  }
0x62: {  	v6, _, _ =	vpop (xrf0)  }
0x63: {  	v6 =	vbroadcast v6, $0xF;
	_ =	sdelay $0x1  }
0x64: {  	vm6 =	veq.f32 v10, v6  }
0x65: {  	v12 =	vnsel vm6, $0x7FFFFFFF, v5  }
0x66: {  	vm6 =	vlt.s32 v4, v12  }
0x67: {  	vm7 =	veq.f32 v11, v6;
	v13 =	vsel vm6, v4, v12  }
0x68: {  	v12 =	vsel vm7, v13, v12  }
0x69: {  	vm6 =	vlt.s32 v12, v3  }
0x6a: {  	vm7 =	veq.f32 v9, v6;
	v13 =	vsel vm6, v12, v3  }
0x6b: {  	v12 =	vsel vm7, v13, v12  }
0x6c: {  	vm6 =	vlt.s32 v12, v2  }
0x6d: {  	vm7 =	veq.f32 v8, v6;
	v13 =	vsel vm6, v12, v2  }
0x6e: {  	v12 =	vsel vm7, v13, v12  }
0x6f: {  	vm6 =	vlt.s32 v12, v1  }
0x70: {  	vm7 =	veq.f32 v7, v6;
	v13 =	vsel vm6, v12, v1  }
0x71: {  	v12 =	vsel vm7, v13, v12  }
0x72: {  	v12 =	vxor.u32 $0x80000000, v12  }
0x73: {  	(xrf0) =	vmin.scan.msk.u32 $0xffff, v12;
	_ =	sdelay $0x5  }
0x74: {  	v12, _, _ =	vpop (xrf0)  }
0x75: {  	(v2sf) =	vpush v12, $0xF;
	_ =	sdelay $0xe  }
0x76: {  	s18 =	spop (v2sf)  }
0x77: {  	s18 =	sxor.u32 $0x80000000, s18  }
0x78: {  	vm6 =	veq.s32 v4, s18;
	vm7 =	veq.s32 v5, s18  }
0x79: {  	v50 =	vsel vm6, $0xFF61B1E6, v11;
	v51 =	vsel vm7, $0xFF61B1E6, v10;
	vm6 =	veq.s32 v3, s18  }
0x7a: {  	v52 =	vsel vm6, $0xFF61B1E6, v9;
	vm6 =	veq.s32 v2, s18;
	v53 =	vmax.f32 v50, v51  }
0x7b: {  	v54 =	vsel vm6, $0xFF61B1E6, v8;
	vm6 =	veq.s32 v1, s18;
	v12 =	vmax.f32 v53, v52  }
0x7c: {  	v55 =	vsel vm6, $0xFF61B1E6, v7;
	v56 =	vmax.f32 v12, v54  }
0x7d: {  	v7 =	vmax.f32 v56, v55  }
0x7e: {  	(xrf0) =	vmax.scan.msk.f32 $0xffff, v7;
	_ =	sdelay $0x5  }
0x7f: {  	v7, _, _ =	vpop (xrf0)  }
0x80: {  	v7 =	vbroadcast v7, $0xF;
	_ =	sdelay $0x1  }
0x81: {  	vm6 =	veq.f32 v51, v7  }
0x82: {  	v57 =	vnsel vm6, $0x7FFFFFFF, v5  }
0x83: {  	vm6 =	vlt.s32 v4, v57  }
0x84: {  	vm7 =	veq.f32 v50, v7;
	v14 =	vsel vm6, v4, v57  }
0x85: {  	v12 =	vsel vm7, v14, v57  }
0x86: {  	vm6 =	vlt.s32 v12, v3  }
0x87: {  	vm7 =	veq.f32 v52, v7;
	v14 =	vsel vm6, v12, v3  }
0x88: {  	v12 =	vsel vm7, v14, v12  }
0x89: {  	vm6 =	vlt.s32 v12, v2  }
0x8a: {  	vm7 =	veq.f32 v54, v7;
	v14 =	vsel vm6, v12, v2  }
0x8b: {  	v12 =	vsel vm7, v14, v12  }
0x8c: {  	vm6 =	vlt.s32 v12, v1  }
0x8d: {  	vm7 =	veq.f32 v55, v7;
	v14 =	vsel vm6, v12, v1  }
0x8e: {  	v12 =	vsel vm7, v14, v12  }
0x8f: {  	v12 =	vxor.u32 $0x80000000, v12  }
0x90: {  	(xrf0) =	vmin.scan.msk.u32 $0xffff, v12;
	_ =	sdelay $0x5  }
0x91: {  	v12, _, _ =	vpop (xrf0)  }
0x92: {  	(v2sf) =	vpush v12, $0xF;
	_ =	sdelay $0xe  }
0x93: {  	s19 =	spop (v2sf)  }
0x94: {  	s19 =	sxor.u32 $0x80000000, s19  }
0x95: {  	vm6 =	veq.s32 v4, s19;
	vm7 =	veq.s32 v5, s19  }
0x96: {  	v11 =	vsel vm6, $0xFF61B1E6, v50;
	v10 =	vsel vm7, $0xFF61B1E6, v51;
	vm6 =	veq.s32 v3, s19  }
0x97: {  	v9 =	vsel vm6, $0xFF61B1E6, v52;
	vm6 =	veq.s32 v2, s19;
	v58 =	vmax.f32 v11, v10  }
0x98: {  	v8 =	vsel vm6, $0xFF61B1E6, v54;
	vm6 =	veq.s32 v1, s19;
	v12 =	vmax.f32 v58, v9  }
0x99: {  	v13 =	vsel vm6, $0xFF61B1E6, v55;
	v12 =	vmax.f32 v12, v8  }
0x9a: {  	v12 =	vmax.f32 v12, v13  }
0x9b: {  	(xrf0) =	vmax.scan.msk.f32 $0xffff, v12;
	_ =	sdelay $0x5  }
0x9c: {  	v12, _, _ =	vpop (xrf0)  }
0x9d: {  	v12 =	vbroadcast v12, $0xF;
	_ =	sdelay $0x1  }
0x9e: {  	vm6 =	veq.f32 v10, v12  }
0x9f: {  	v59 =	vnsel vm6, $0x7FFFFFFF, v5  }
0xa0: {  	vm6 =	vlt.s32 v4, v59  }
0xa1: {  	vm7 =	veq.f32 v11, v12;
	v15 =	vsel vm6, v4, v59  }
0xa2: {  	v14 =	vsel vm7, v15, v59  }
0xa3: {  	vm6 =	vlt.s32 v14, v3  }
0xa4: {  	vm7 =	veq.f32 v9, v12;
	v15 =	vsel vm6, v14, v3  }
0xa5: {  	v14 =	vsel vm7, v15, v14  }
0xa6: {  	vm6 =	vlt.s32 v14, v2  }
0xa7: {  	vm7 =	veq.f32 v8, v12;
	v15 =	vsel vm6, v14, v2  }
0xa8: {  	v14 =	vsel vm7, v15, v14  }
0xa9: {  	vm6 =	vlt.s32 v14, v1  }
0xaa: {  	vm7 =	veq.f32 v13, v12;
	v15 =	vsel vm6, v14, v1  }
0xab: {  	v14 =	vsel vm7, v15, v14  }
0xac: {  	v14 =	vxor.u32 $0x80000000, v14  }
0xad: {  	(xrf0) =	vmin.scan.msk.u32 $0xffff, v14;
	_ =	sdelay $0x5  }
0xae: {  	v14, _, _ =	vpop (xrf0)  }
0xaf: {  	(v2sf) =	vpush v14, $0xF;
	_ =	sdelay $0xe  }
0xb0: {  	s20 =	spop (v2sf)  }
0xb1: {  	s20 =	sxor.u32 $0x80000000, s20  }
0xb2: {  	vm6 =	veq.s32 v4, s20;
	vm7 =	veq.s32 v5, s20  }
0xb3: {  	v11 =	vsel vm6, $0xFF61B1E6, v11;
	v10 =	vsel vm7, $0xFF61B1E6, v10;
	vm6 =	veq.s32 v3, s20  }
0xb4: {  	v9 =	vsel vm6, $0xFF61B1E6, v9;
	vm6 =	veq.s32 v2, s20;
	v60 =	vmax.f32 v11, v10  }
0xb5: {  	v8 =	vsel vm6, $0xFF61B1E6, v8;
	vm6 =	veq.s32 v1, s20;
	v14 =	vmax.f32 v60, v9  }
0xb6: {  	v13 =	vsel vm6, $0xFF61B1E6, v13;
	v14 =	vmax.f32 v14, v8  }
0xb7: {  	v14 =	vmax.f32 v14, v13  }
0xb8: {  	(xrf0) =	vmax.scan.msk.f32 $0xffff, v14;
	_ =	sdelay $0x5  }
0xb9: {  	v14, _, _ =	vpop (xrf0)  }
0xba: {  	v14 =	vbroadcast v14, $0xF;
	_ =	sdelay $0x1  }
0xbb: {  	vm6 =	veq.f32 v10, v14  }
0xbc: {  	v61 =	vnsel vm6, $0x7FFFFFFF, v5  }
0xbd: {  	vm6 =	vlt.s32 v4, v61  }
0xbe: {  	vm7 =	veq.f32 v11, v14;
	v16 =	vsel vm6, v4, v61  }
0xbf: {  	v15 =	vsel vm7, v16, v61  }
0xc0: {  	vm6 =	vlt.s32 v15, v3  }
0xc1: {  	vm7 =	veq.f32 v9, v14;
	v16 =	vsel vm6, v15, v3  }
0xc2: {  	v15 =	vsel vm7, v16, v15  }
0xc3: {  	vm6 =	vlt.s32 v15, v2  }
0xc4: {  	vm7 =	veq.f32 v8, v14;
	v16 =	vsel vm6, v15, v2  }
0xc5: {  	v15 =	vsel vm7, v16, v15  }
0xc6: {  	vm6 =	vlt.s32 v15, v1  }
0xc7: {  	vm7 =	veq.f32 v13, v14;
	v16 =	vsel vm6, v15, v1  }
0xc8: {  	v15 =	vsel vm7, v16, v15  }
0xc9: {  	v15 =	vxor.u32 $0x80000000, v15  }
0xca: {  	(xrf0) =	vmin.scan.msk.u32 $0xffff, v15;
	_ =	sdelay $0x5  }
0xcb: {  	v15, _, _ =	vpop (xrf0)  }
0xcc: {  	(v2sf) =	vpush v15, $0xF;
	_ =	sdelay $0xe  }
0xcd: {  	s21 =	spop (v2sf)  }
0xce: {  	s21 =	sxor.u32 $0x80000000, s21  }
0xcf: {  	vm6 =	veq.s32 v4, s21;
	vm7 =	veq.s32 v5, s21  }
0xd0: {  	v11 =	vsel vm6, $0xFF61B1E6, v11;
	v10 =	vsel vm7, $0xFF61B1E6, v10;
	vm6 =	veq.s32 v3, s21  }
0xd1: {  	v9 =	vsel vm6, $0xFF61B1E6, v9;
	vm6 =	veq.s32 v2, s21;
	v62 =	vmax.f32 v11, v10  }
0xd2: {  	v8 =	vsel vm6, $0xFF61B1E6, v8;
	vm6 =	veq.s32 v1, s21;
	v15 =	vmax.f32 v62, v9  }
0xd3: {  	v13 =	vsel vm6, $0xFF61B1E6, v13;
	v15 =	vmax.f32 v15, v8  }
0xd4: {  	v15 =	vmax.f32 v15, v13  }
0xd5: {  	(xrf0) =	vmax.scan.msk.f32 $0xffff, v15;
	_ =	sdelay $0x5  }
0xd6: {  	v15, _, _ =	vpop (xrf0)  }
0xd7: {  	v15 =	vbroadcast v15, $0xF;
	_ =	sdelay $0x1  }
0xd8: {  	vm6 =	veq.f32 v10, v15  }
0xd9: {  	v63 =	vnsel vm6, $0x7FFFFFFF, v5  }
0xda: {  	vm6 =	vlt.s32 v4, v63  }
0xdb: {  	vm7 =	veq.f32 v11, v15;
	v4 =	vsel vm6, v4, v63  }
0xdc: {  	v4 =	vsel vm7, v4, v63  }
0xdd: {  	vm6 =	vlt.s32 v4, v3  }
0xde: {  	vm7 =	veq.f32 v9, v15;
	v3 =	vsel vm6, v4, v3  }
0xdf: {  	v3 =	vsel vm7, v3, v4  }
0xe0: {  	vm6 =	vlt.s32 v3, v2  }
0xe1: {  	vm7 =	veq.f32 v8, v15;
	v2 =	vsel vm6, v3, v2  }
0xe2: {  	v2 =	vsel vm7, v2, v3  }
0xe3: {  	vm6 =	vlt.s32 v2, v1  }
0xe4: {  	vm7 =	veq.f32 v13, v15;
	v1 =	vsel vm6, v2, v1  }
0xe5: {  	v1 =	vsel vm7, v1, v2  }
0xe6: {  	v1 =	vxor.u32 $0x80000000, v1  }
0xe7: {  	(xrf0) =	vmin.scan.msk.u32 $0xffff, v1;
	_ =	sdelay $0x5  }
0xe8: {  	v1, _, _ =	vpop (xrf0)  }
0xe9: {  	(v2sf) =	vpush v1, $0xF;
	_ =	sdelay $0xa  }
0xea: {  	vm6 =	vmmov $0x1  }
0xeb: {  	v2 =	vnsel vm6, $0xFF61B1E6, v6;
	v1 =	vmov s18  }
0xec: {  	v2 =	vsel vm1, v2, v7;
	v1 =	vnsel vm0, $0x0, v1  }
0xed: {  	v2 =	vsel vm3, v2, v12;
	v1 =	vsel vm2, s19, v1  }
0xee: {  	v2 =	vsel vm4, v2, v14;
	v1 =	vnsel vm3, s20, v1;
	s31 =	spop (v2sf)  }
0xef: {  	vm7 =	veq.s32 v0, $0x4;
	v2 =	vsel vm5, v2, v15;
	v1 =	vnsel vm4, s21, v1;
	s18 =	sxor.u32 $0x80000000, s31  }
0xf0: {  	[tilespmem:$0x800] =	vst v2;
	v1 =	vsel vm7, s18, v1  }
0xf1: {  	[tilespmem:$0x880] =	vst v1  }
0xf2: {  	[spmem:s5] =	stream.linear.scatter [tilespmem:s13], [sflag:$0x1], $0x10, $0x38;
	[tilespmem:$0xA20] =	vst v63  }
0xf3: {  	_ =	swait.ge [sflag:s12], $0x10  }
0xf4: {  	[sflag:s12] =	ssyncset.done $0x0  }
0xf5: {  	[sflag:s12] =	ssyncadd.s32 $0xFFFFFFF0  }
0xf6: {  	[spmem:s6] =	stream.linear.scatter [tilespmem:s14], [sflag:$0x1], $0x10, $0x38;
	[tilespmem:$0xA20] =	vst v63  }
.Ltmp3:
0xf7: {  	_ =	swait.ge [sflag:s12], $0x10;
	(pc) =	sbr.rel @p0 .LBB2_5-.Ltmp3, $3  }
0xf8: {  	[sflag:s12] =	ssyncset.done $0x0  }
0xf9: {  	[sflag:s12] =	ssyncadd.s32 $0xFFFFFFF0  }
0xfa: {  	[bflag:$0x0] =	sbarrier.arrive $0xFFFF;
	_ =	sdelay $0x1  }
0xfb: {  	[tilespmem:s15], [sflag:$0x1] =	stream.linear.gather [spmem:s5], $0x40, $0x38;
	[tilespmem:$0xA20] =	vst v63  }
0xfc: {  	_ =	swait.ge [sflag:s12], $0x40  }
0xfd: {  	[sflag:s12] =	ssyncset.done $0x0  }
0xfe: {  	[sflag:s12] =	ssyncadd.s32 $0xFFFFFFC0  }
0xff: {  	[tilespmem:s16], [sflag:$0x1] =	stream.linear.gather [spmem:s6], $0x40, $0x38;
	[tilespmem:$0xA20] =	vst v63  }
0x100: {  	_ =	swait.ge [sflag:s12], $0x40  }
0x101: {  	[sflag:s12] =	ssyncset.done $0x0  }
0x102: {  	[sflag:s12] =	ssyncadd.s32 $0xFFFFFFC0  }
0x103: {  	v6 =	vld [tilespmem:$0x900]  }
0x104: {  	v7 =	vld [tilespmem:$0x910]  }
0x105: {  	v8 =	vld [tilespmem:$0x920]  }
0x106: {  	v9 =	vld [tilespmem:$0x930];
	_ =	sdelay $0x2  }
0x107: {  	v1 =	vmax.f32 v6, v7  }
0x108: {  	v1 =	vmax.f32 v1, v8  }
0x109: {  	v1 =	vmax.f32 v1, v9  }
0x10a: {  	(xrf0) =	vmax.scan.msk.f32 $0xffff, v1;
	_ =	sdelay $0x4  }
0x10b: {  	v5 =	vld [tilespmem:$0x990]  }
0x10c: {  	v4 =	vld [tilespmem:$0x980];
	v1, _, _ =	vpop (xrf0)  }
0x10d: {  	v1 =	vbroadcast v1, $0xF;
	_ =	sdelay $0x1  }
0x10e: {  	v2 =	vld [tilespmem:$0x9A0];
	vm8 =	veq.f32 v7, v1  }
0x10f: {  	v10 =	vnsel vm8, $0x7FFFFFFF, v5  }
0x110: {  	vm8 =	vlt.s32 v4, v10  }
0x111: {  	v3 =	vld [tilespmem:$0x9B0];
	vm9 =	veq.f32 v6, v1;
	v11 =	vsel vm8, v4, v10  }
0x112: {  	v10 =	vsel vm9, v11, v10  }
0x113: {  	vm12 =	vlt.s32 v10, v2  }
0x114: {  	vm13 =	veq.f32 v8, v1;
	v11 =	vsel vm12, v10, v2  }
0x115: {  	v10 =	vsel vm13, v11, v10  }
0x116: {  	vm14 =	vlt.s32 v10, v3  }
0x117: {  	vm15 =	veq.f32 v9, v1;
	v11 =	vsel vm14, v10, v3  }
0x118: {  	v10 =	vsel vm15, v11, v10  }
0x119: {  	v10 =	vxor.u32 $0x80000000, v10  }
0x11a: {  	(xrf0) =	vmin.scan.msk.u32 $0xffff, v10;
	_ =	sdelay $0x5  }
0x11b: {  	v10, _, _ =	vpop (xrf0)  }
0x11c: {  	(v2sf) =	vpush v10, $0xF;
	_ =	sdelay $0xe  }
0x11d: {  	s18 =	spop (v2sf)  }
0x11e: {  	s18 =	sxor.u32 $0x80000000, s18  }
0x11f: {  	vm12 =	veq.s32 v4, s18;
	vm13 =	veq.s32 v5, s18  }
0x120: {  	vm14 =	veq.s32 v2, s18;
	v6 =	vsel vm12, $0xFF61B1E6, v6;
	v7 =	vsel vm13, $0xFF61B1E6, v7  }
0x121: {  	vm15 =	veq.s32 v3, s18;
	v8 =	vsel vm14, $0xFF61B1E6, v8;
	v57 =	vmax.f32 v6, v7  }
0x122: {  	v9 =	vsel vm15, $0xFF61B1E6, v9;
	v10 =	vmax.f32 v57, v8  }
0x123: {  	v10 =	vmax.f32 v10, v9  }
0x124: {  	(xrf0) =	vmax.scan.msk.f32 $0xffff, v10;
	_ =	sdelay $0x5  }
0x125: {  	v10, _, _ =	vpop (xrf0)  }
0x126: {  	v10 =	vbroadcast v10, $0xF;
	_ =	sdelay $0x1  }
0x127: {  	vm12 =	veq.f32 v7, v10  }
0x128: {  	v58 =	vnsel vm12, $0x7FFFFFFF, v5  }
0x129: {  	vm8 =	vlt.s32 v4, v58  }
0x12a: {  	vm13 =	veq.f32 v6, v10;
	v12 =	vsel vm8, v4, v58  }
0x12b: {  	v11 =	vsel vm13, v12, v58  }
0x12c: {  	vm14 =	vlt.s32 v11, v2  }
0x12d: {  	vm15 =	veq.f32 v8, v10;
	v12 =	vsel vm14, v11, v2  }
0x12e: {  	v11 =	vsel vm15, v12, v11  }
0x12f: {  	vm12 =	vlt.s32 v11, v3  }
0x130: {  	vm13 =	veq.f32 v9, v10;
	v12 =	vsel vm12, v11, v3  }
0x131: {  	v11 =	vsel vm13, v12, v11  }
0x132: {  	v11 =	vxor.u32 $0x80000000, v11  }
0x133: {  	(xrf0) =	vmin.scan.msk.u32 $0xffff, v11;
	_ =	sdelay $0x5  }
0x134: {  	v11, _, _ =	vpop (xrf0)  }
0x135: {  	(v2sf) =	vpush v11, $0xF;
	_ =	sdelay $0xe  }
0x136: {  	s19 =	spop (v2sf)  }
0x137: {  	s19 =	sxor.u32 $0x80000000, s19  }
0x138: {  	vm14 =	veq.s32 v4, s19;
	vm15 =	veq.s32 v5, s19  }
0x139: {  	vm12 =	veq.s32 v2, s19;
	v6 =	vsel vm14, $0xFF61B1E6, v6;
	v7 =	vsel vm15, $0xFF61B1E6, v7  }
0x13a: {  	vm13 =	veq.s32 v3, s19;
	v8 =	vsel vm12, $0xFF61B1E6, v8;
	v59 =	vmax.f32 v6, v7  }
0x13b: {  	v9 =	vsel vm13, $0xFF61B1E6, v9;
	v11 =	vmax.f32 v59, v8  }
0x13c: {  	v11 =	vmax.f32 v11, v9  }
0x13d: {  	(xrf0) =	vmax.scan.msk.f32 $0xffff, v11;
	_ =	sdelay $0x5  }
0x13e: {  	v11, _, _ =	vpop (xrf0)  }
0x13f: {  	v11 =	vbroadcast v11, $0xF;
	_ =	sdelay $0x1  }
0x140: {  	vm14 =	veq.f32 v7, v11  }
0x141: {  	v60 =	vnsel vm14, $0x7FFFFFFF, v5  }
0x142: {  	vm8 =	vlt.s32 v4, v60  }
0x143: {  	vm15 =	veq.f32 v6, v11;
	v13 =	vsel vm8, v4, v60  }
0x144: {  	v12 =	vsel vm15, v13, v60  }
0x145: {  	vm12 =	vlt.s32 v12, v2  }
0x146: {  	vm13 =	veq.f32 v8, v11;
	v13 =	vsel vm12, v12, v2  }
0x147: {  	v12 =	vsel vm13, v13, v12  }
0x148: {  	vm14 =	vlt.s32 v12, v3  }
0x149: {  	vm15 =	veq.f32 v9, v11;
	v13 =	vsel vm14, v12, v3  }
0x14a: {  	v12 =	vsel vm15, v13, v12  }
0x14b: {  	v12 =	vxor.u32 $0x80000000, v12  }
0x14c: {  	(xrf0) =	vmin.scan.msk.u32 $0xffff, v12;
	_ =	sdelay $0x5  }
0x14d: {  	v12, _, _ =	vpop (xrf0)  }
0x14e: {  	(v2sf) =	vpush v12, $0xF;
	_ =	sdelay $0xe  }
0x14f: {  	s20 =	spop (v2sf)  }
0x150: {  	s20 =	sxor.u32 $0x80000000, s20  }
0x151: {  	vm12 =	veq.s32 v4, s20;
	vm13 =	veq.s32 v5, s20  }
0x152: {  	vm14 =	veq.s32 v2, s20;
	v6 =	vsel vm12, $0xFF61B1E6, v6;
	v7 =	vsel vm13, $0xFF61B1E6, v7  }
0x153: {  	vm15 =	veq.s32 v3, s20;
	v8 =	vsel vm14, $0xFF61B1E6, v8;
	v61 =	vmax.f32 v6, v7  }
0x154: {  	v9 =	vsel vm15, $0xFF61B1E6, v9;
	v12 =	vmax.f32 v61, v8  }
0x155: {  	v12 =	vmax.f32 v12, v9  }
0x156: {  	(xrf0) =	vmax.scan.msk.f32 $0xffff, v12;
	_ =	sdelay $0x5  }
0x157: {  	v12, _, _ =	vpop (xrf0)  }
0x158: {  	v12 =	vbroadcast v12, $0xF;
	_ =	sdelay $0x1  }
0x159: {  	vm12 =	veq.f32 v7, v12  }
0x15a: {  	v62 =	vnsel vm12, $0x7FFFFFFF, v5  }
0x15b: {  	vm8 =	vlt.s32 v4, v62  }
0x15c: {  	vm13 =	veq.f32 v6, v12;
	v14 =	vsel vm8, v4, v62  }
0x15d: {  	v13 =	vsel vm13, v14, v62  }
0x15e: {  	vm14 =	vlt.s32 v13, v2  }
0x15f: {  	vm15 =	veq.f32 v8, v12;
	v14 =	vsel vm14, v13, v2  }
0x160: {  	v13 =	vsel vm15, v14, v13  }
0x161: {  	vm12 =	vlt.s32 v13, v3  }
0x162: {  	vm13 =	veq.f32 v9, v12;
	v14 =	vsel vm12, v13, v3  }
0x163: {  	v13 =	vsel vm13, v14, v13  }
0x164: {  	v13 =	vxor.u32 $0x80000000, v13  }
0x165: {  	(xrf0) =	vmin.scan.msk.u32 $0xffff, v13;
	_ =	sdelay $0x5  }
0x166: {  	v13, _, _ =	vpop (xrf0)  }
0x167: {  	(v2sf) =	vpush v13, $0xF;
	_ =	sdelay $0xe  }
0x168: {  	s21 =	spop (v2sf)  }
0x169: {  	s21 =	sxor.u32 $0x80000000, s21  }
0x16a: {  	vm14 =	veq.s32 v4, s21;
	vm15 =	veq.s32 v5, s21  }
0x16b: {  	vm12 =	veq.s32 v2, s21;
	v6 =	vsel vm14, $0xFF61B1E6, v6;
	v7 =	vsel vm15, $0xFF61B1E6, v7  }
0x16c: {  	vm13 =	veq.s32 v3, s21;
	v8 =	vsel vm12, $0xFF61B1E6, v8;
	v63 =	vmax.f32 v6, v7  }
0x16d: {  	v9 =	vsel vm13, $0xFF61B1E6, v9;
	v13 =	vmax.f32 v63, v8  }
0x16e: {  	v13 =	vmax.f32 v13, v9  }
0x16f: {  	(xrf0) =	vmax.scan.msk.f32 $0xffff, v13;
	_ =	sdelay $0x5  }
0x170: {  	v13, _, _ =	vpop (xrf0)  }
0x171: {  	v13 =	vbroadcast v13, $0xF;
	_ =	sdelay $0x1  }
0x172: {  	vm14 =	veq.f32 v7, v13  }
0x173: {  	v5 =	vnsel vm14, $0x7FFFFFFF, v5  }
0x174: {  	vm8 =	vlt.s32 v4, v5  }
0x175: {  	vm15 =	veq.f32 v6, v13;
	v4 =	vsel vm8, v4, v5  }
0x176: {  	v4 =	vsel vm15, v4, v5  }
0x177: {  	vm12 =	vlt.s32 v4, v2  }
0x178: {  	vm13 =	veq.f32 v8, v13;
	v2 =	vsel vm12, v4, v2  }
0x179: {  	v2 =	vsel vm13, v2, v4  }
0x17a: {  	vm14 =	vlt.s32 v2, v3  }
0x17b: {  	vm15 =	veq.f32 v9, v13;
	v3 =	vsel vm14, v2, v3  }
0x17c: {  	v2 =	vsel vm15, v3, v2  }
0x17d: {  	v2 =	vxor.u32 $0x80000000, v2  }
0x17e: {  	(xrf0) =	vmin.scan.msk.u32 $0xffff, v2;
	_ =	sdelay $0x5  }
0x17f: {  	v2, _, _ =	vpop (xrf0)  }
0x180: {  	(v2sf) =	vpush v2, $0xF;
	_ =	sdelay $0xb  }
0x181: {  	v1 =	vnsel vm6, $0xFF61B1E6, v1;
	v2 =	vmov s18  }
0x182: {  	v1 =	vsel vm1, v1, v10;
	v2 =	vnsel vm0, $0x0, v2  }
0x183: {  	v1 =	vsel vm3, v1, v11;
	v2 =	vsel vm2, s19, v2  }
0x184: {  	v1 =	vsel vm4, v1, v12;
	v2 =	vnsel vm3, s20, v2;
	s31 =	spop (v2sf)  }
0x185: {  	v1 =	vsel vm5, v1, v13;
	v2 =	vnsel vm4, s21, v2;
	s18 =	sxor.u32 $0x80000000, s31  }
0x186: {  	[tilespmem:$0x800] =	vst v1;
	v2 =	vsel vm7, s18, v2  }
0x187: {  	[tilespmem:$0x880] =	vst v2  }
0x188: {  	[hbm4b:s7+s2] =	stream.linear.scatter [tilespmem:s13], [sflag:$0x1], $0x80, $0x38;
	[tilespmem:$0xA20] =	vst v63  }
0x189: {  	_ =	swait.ge [sflag:s12], $0x80  }
0x18a: {  	[sflag:s12] =	ssyncset.done $0x0  }
.Ltmp4:
0x18b: {  	[sflag:s12] =	ssyncadd.s32 $0xFFFFFF80;
	(pc) =	sbr.rel .LBB2_5-.Ltmp4, $4  }
0x18c: {  	[hbm4b:s8+s2] =	stream.linear.scatter [tilespmem:s14], [sflag:$0x1], $0x80, $0x38;
	[tilespmem:$0xA20] =	vst v63  }
0x18d: {  	_ =	swait.ge [sflag:s12], $0x80  }
0x18e: {  	[sflag:s12] =	ssyncset.done $0x0  }
0x18f: {  	[sflag:s12] =	ssyncadd.s32 $0xFFFFFF80  }
.LBB2_6:
0x190: {  	_ =	sfence.sel $0x180000  }
0x191: {  	[bflag:$0x0] =	sbarrier.arrive $0xFFFF  }
0x192: {  	p0 =	sne.s32 s1, $0x0;
	_ =	strace $0x90000047  }
0x193: {  	s0 =	sadd.s32 @!p0 $0x100000, s0;
	[bflag:$0x2] =	sbarrier.arrive $0xFFFF  }
0x194: {  	[sflag:s0] =	ssyncadd.tile.s32 @!p0 $0x1;
	_ =	shalt  }
.Lfunc_end2:
_tile_overlayer_lowered:
.L_overlay_start_2:
0x195: {  	(tag) =	ssettag $0x2  }
0x196: {  	s0 =	rddreg [dreg:$0x0];
	s2 =	stileid.u32  }
0x197: {  	s1 =	rddreg [dreg:$0x1];
	p0 =	sne.s32 s2, $0x0  }
0x198: {  	s3 =	rddreg [dreg:$0x2];
	[bflag:$0x3] =	sbarrier.arrive $0xFFFF;
	s2 =	simm.s32 @!p0 $0x1C01  }
0x199: {  	[timem:s3], [sflag:s2] =	dma.local @!p0 [hbm:s0], s1  }
0x19a: {  	s0 =	simm.s32 @!p0 $0x1  }
0x19b: {  	_ =	swait.ge @!p0 [sflag:s0], s1  }
0x19c: {  	s1 =	ssub.s32 @!p0 $0x0, s1;
	[sflag:s0] =	ssyncset.done @!p0 $0x0  }
0x19d: {  	[sflag:s0] =	ssyncadd.s32 @!p0 s1  }
0x19e: {  	[bflag:$0x3] =	sbarrier.arrive $0xFFFF  }
0x19f: {  	_ =	shalt  }

</sc_bundles>
